<compile_context>
chip_gen: v7x
topology: tpu7x:2x2x1
jax: 0.10.2.dev20260603
libtpu: 0.0.44.dev20260713+nightly
codegen_flags: <defaults>
</compile_context>

<pallas_src>
import functools

import jax
import jax.numpy as jnp
import numpy as np
from jax import lax
from jax.experimental import pallas as pl
from jax.experimental.pallas import tpu as pltpu
from jax.experimental.pallas import tpu_sc as plsc

B = 128
V = 100000
K = 64
L = 16
NBUCKET = 1024
CAND = 1024
NCHUNK = V // L
NEG_INF = np.float32(-np.inf)
I32_MAX = np.int32(2**31 - 1)


def _f32_key(x):
    bits = plsc.bitcast(x, jnp.int32)
    neg = x < 0.0
    return jnp.where(neg, ~bits, bits ^ np.int32(-(2**31)))


def _sc_body(logits_hbm, vals_hbm, idx_hbm,
             row_v, hist_v, cand_v, cand_i, out_v, out_i,
             gmax_v, glist_v):
    info = plsc.get_sparse_core_info()
    nc = info.num_cores
    wid = lax.axis_index("s") * nc + lax.axis_index("c")
    rows_per = B // (nc * info.num_subcores)

    G = 10
    NGRP = NCHUNK // G
    NGPAD = 656

    def hz(c, _):
        for u in range(4):
            hist_v[pl.ds((c * 4 + u) * L, L)] = jnp.zeros((L,), jnp.int32)
        return 0

    lax.fori_loop(0, NBUCKET // 4, hz, 0)

    def gz(c, _):
        gmax_v[pl.ds(c * L, L)] = jnp.full((L,), NEG_INF, jnp.float32)
        return 0

    lax.fori_loop(0, NGPAD // L, gz, 0)

    def do_row(rr, _):
        r = wid * rows_per + rr
        pltpu.sync_copy(logits_hbm.at[r], row_v)

        lanes = lax.iota(jnp.int32, L)
        lane_off = lax.shift_left(lanes, np.int32(10))
        ones_i = jnp.full((L,), 1, jnp.int32)
        lane0 = lanes == 0

        @plsc.parallel_loop(0, NGRP, unroll=4)
        def p1(g):
            gm = jnp.full((L,), NEG_INF, jnp.float32)
            for u in range(G):
                x = row_v[pl.ds((g * G + u) * L, L)]
                gm = jnp.maximum(gm, x)
            plsc.store_scatter(gmax_v, [jnp.full((L,), g, jnp.int32)],
                               jnp.full((L,), jnp.max(gm), jnp.float32),
                               mask=lane0)

        def bh(t, _):
            gidx = jnp.full((L,), t * L, jnp.int32) + lanes
            gmx = gmax_v[pl.ds(t * L, L)]
            bits = plsc.bitcast(gmx, jnp.int32)
            b0 = lax.shift_right_logical(bits, np.int32(22))
            s = lax.shift_right_arithmetic(bits, np.int32(31))
            msk10 = np.int32(0x200) | (s & np.int32(0x1FF))
            slot = (b0 ^ msk10) + lane_off
            plsc.addupdate_scatter(hist_v, [slot], ones_i,
                                   mask=gidx < np.int32(NGRP))
            return 0

        lax.fori_loop(0, NGPAD // L, bh, 0)

        def hs(t, carry):
            cum, bstar_v = carry
            gb = (np.int32(63) - t) * np.int32(L)
            totals = hist_v[pl.ds(gb, L)]
            hist_v[pl.ds(gb, L)] = jnp.zeros((L,), jnp.int32)
            for ln in range(1, L):
                sl = pl.ds(ln * NBUCKET + gb, L)
                totals = totals + hist_v[sl]
                hist_v[sl] = jnp.zeros((L,), jnp.int32)
            rev = lax.rev(totals, (0,))
            c = jnp.cumsum(rev)
            cumtop = cum + c
            cumtop_prev = cumtop - rev
            crossing = jnp.logical_and(cumtop_prev < K, cumtop >= K)
            vec_b = jnp.full((L,), gb + np.int32(L - 1), jnp.int32) - lanes
            bstar_v = jnp.where(crossing, vec_b, bstar_v)
            return cum + jnp.sum(totals), bstar_v

        _, bstar_v = lax.fori_loop(
            0, NBUCKET // L, hs,
            (jnp.int32(0), jnp.zeros((L,), jnp.int32)))
        bstar = jnp.max(bstar_v)
        key_lo = lax.shift_left(bstar, np.int32(22))
        t_bits = jnp.where(key_lo < 0, key_lo ^ np.int32(-(2**31)), ~key_lo)
        t_lo = jnp.max(plsc.bitcast(jnp.full((L,), t_bits, jnp.int32), jnp.float32))

        def ci(c, _):
            cand_v[pl.ds(c * L, L)] = jnp.full((L,), NEG_INF, jnp.float32)
            return 0

        lax.fori_loop(0, (CAND + L) // L, ci, 0)

        def gl(t, goff):
            gidx = jnp.full((L,), t * L, jnp.int32) + lanes
            gm16 = gmax_v[pl.ds(t * L, L)]
            gmask = gm16 >= t_lo
            plsc.store_compressed(glist_v.at[pl.ds(goff, L)], gidx,
                                  mask=gmask)
            return goff + jnp.max(plsc.all_reduce_population_count(gmask))

        ngrp = lax.fori_loop(0, NGPAD // L, gl, jnp.int32(0))

        def p2(gi, off):
            g = jnp.max(plsc.load_gather(
                glist_v, [jnp.full((L,), gi, jnp.int32)]))

            def inner(u, off):
                c = g * G + u
                x = row_v[pl.ds(c * L, L)]
                mask = x >= t_lo
                guard = off <= np.int32(CAND - L)
                mask = jnp.logical_and(mask, jnp.full((L,), guard))
                plsc.store_compressed(cand_v.at[pl.ds(off, L)], x, mask=mask)
                col = jnp.full((L,), c * L, jnp.int32) + lanes
                plsc.store_compressed(cand_i.at[pl.ds(off, L)], col,
                                      mask=mask)
                return off + jnp.max(plsc.all_reduce_population_count(mask))

            return lax.fori_loop(0, G, inner, off)

        off = lax.fori_loop(0, ngrp, p2, jnp.int32(0))
        nch = (off + np.int32(L - 1)) // np.int32(L)

        def ex(k, carry):
            v_last, i_last = carry

            def scan(c, bc):
                bv, bi = bc
                v = cand_v[pl.ds(c * L, L)]
                i = cand_i[pl.ds(c * L, L)]
                elig = jnp.logical_or(
                    v < v_last, jnp.logical_and(v == v_last, i > i_last))
                veff = jnp.where(elig, v, NEG_INF)
                ieff = jnp.where(elig, i, I32_MAX)
                better = jnp.logical_or(
                    veff > bv, jnp.logical_and(veff == bv, ieff < bi))
                return (jnp.where(better, veff, bv), jnp.where(better, ieff, bi))

            bv, bi = lax.fori_loop(
                0, nch, scan,
                (jnp.full((L,), NEG_INF, jnp.float32), jnp.full((L,), I32_MAX)))
            vk = jnp.max(bv)
            ik = jnp.min(jnp.where(bv == vk, bi, I32_MAX))
            lane0 = lanes == 0
            plsc.store_scatter(out_v, [jnp.full((L,), k, jnp.int32)],
                               jnp.full((L,), vk, jnp.float32), mask=lane0)
            plsc.store_scatter(out_i, [jnp.full((L,), k, jnp.int32)],
                               jnp.full((L,), ik, jnp.int32), mask=lane0)
            return vk, ik

        lax.fori_loop(0, K, ex, (jnp.float32(np.inf), jnp.int32(-1)))

        pltpu.sync_copy(out_v, vals_hbm.at[r])
        pltpu.sync_copy(out_i, idx_hbm.at[r])
        return 0

    lax.fori_loop(0, rows_per, do_row, 0)


@jax.jit
def _sc_topk(logits):
    mesh = plsc.VectorSubcoreMesh(core_axis_name="c", subcore_axis_name="s")
    f = functools.partial(
        pl.kernel,
        mesh=mesh,
        compiler_params=pltpu.CompilerParams(needs_layout_passes=False),
        out_type=[
            jax.ShapeDtypeStruct((B, K), jnp.float32),
            jax.ShapeDtypeStruct((B, K), jnp.int32),
        ],
        scratch_types=[
            pltpu.VMEM((V,), jnp.float32),
            pltpu.VMEM((NBUCKET * L,), jnp.int32),
            pltpu.VMEM((CAND + L,), jnp.float32),
            pltpu.VMEM((CAND + L,), jnp.int32),
            pltpu.VMEM((K,), jnp.float32),
            pltpu.VMEM((K,), jnp.int32),
            pltpu.VMEM((656,), jnp.float32),
            pltpu.VMEM((656 + L,), jnp.int32),
        ],
    )(_sc_body)
    return f(logits)


def _stats_body(x_ref, t_ref, m_ref, s_ref):
    x = x_ref[...]
    t = t_ref[...]
    m = jnp.max(x, axis=1, keepdims=True)
    s_ref[...] = jnp.sum(jnp.exp((x - m) / t), axis=1, keepdims=True)
    m_ref[...] = m


RB = 8


@jax.jit
def _tc_stats(logits, temperatures):
    return pl.pallas_call(
        _stats_body,
        grid=(B // RB,),
        in_specs=[
            pl.BlockSpec((RB, V), lambda i: (i, 0)),
            pl.BlockSpec((RB, 1), lambda i: (i, 0)),
        ],
        out_specs=[
            pl.BlockSpec((RB, 1), lambda i: (i, 0)),
            pl.BlockSpec((RB, 1), lambda i: (i, 0)),
        ],
        out_shape=[
            jax.ShapeDtypeStruct((B, 1), jnp.float32),
            jax.ShapeDtypeStruct((B, 1), jnp.float32),
        ],
    )(logits, temperatures.reshape(B, 1).astype(jnp.float32))


def _tf_rotl(x, r):
    return lax.shift_left(x, np.int32(r)) | lax.shift_right_logical(
        x, np.int32(32 - r))


def _finish_body(vals_ref, idx_ref, m_ref, s_ref, t_ref, k_ref, p_ref,
                 mp_ref, out_ref):
    v = vals_ref[...]
    idx = idx_ref[...]
    m = m_ref[...]
    denom = s_ref[...]
    temp = t_ref[...]
    topk = k_ref[...]
    topp = p_ref[...]
    minp = mp_ref[...]

    sv = (v - m) / temp
    p = jnp.exp(sv) / denom
    csum = p
    for step in (1, 2, 4, 8, 16, 32):
        shifted = jnp.concatenate(
            [jnp.zeros((B, step), jnp.float32), csum[:, :K - step]], axis=1)
        csum = csum + shifted
    ranks = lax.broadcasted_iota(jnp.int32, (B, K), 1)
    ps = jnp.where((csum - p) > topp, 0.0, p)
    ps = jnp.where(ranks >= topk, 0.0, ps)
    thr = p[:, 0:1] * minp
    ps = jnp.where(ps < thr, 0.0, ps)
    logp = jnp.where(ps > 0.0, sv, NEG_INF)

    row = lax.broadcasted_iota(jnp.int32, (B, K), 0)
    x1 = row * np.int32(V) + ranks
    x0 = jnp.zeros((B, K), jnp.int32)
    k0 = np.int32(0)
    k1 = np.int32(42)
    ks = (k0, k1, np.int32(k0 ^ k1 ^ np.int32(0x1BD11BDA)))
    x0 = x0 + ks[0]
    x1 = x1 + ks[1]
    rots = ((13, 15, 26, 6), (17, 29, 16, 24))
    for i in range(5):
        for r in rots[i % 2]:
            x0 = x0 + x1
            x1 = _tf_rotl(x1, r)
            x1 = x1 ^ x0
        x0 = x0 + ks[(i + 1) % 3]
        x1 = x1 + ks[(i + 2) % 3] + np.int32(i + 1)
    bits = x0 ^ x1
    fb = lax.shift_right_logical(bits, np.int32(9)) | np.int32(0x3F800000)
    u = lax.bitcast_convert_type(fb, jnp.float32) - 1.0
    u = jnp.maximum(np.float32(np.finfo(np.float32).tiny), u)
    g = -jnp.log(-jnp.log(u))

    score = logp + g
    smax = jnp.max(score, axis=1, keepdims=True)
    jj = jnp.min(jnp.where(score == smax, ranks, np.int32(K)), axis=1,
                 keepdims=True)
    token = jnp.sum(jnp.where(ranks == jj, idx, 0), axis=1, keepdims=True)
    out_ref[...] = token


@jax.jit
def _tc_finish(vals, idx, m, s, temperatures, top_ks, top_ps, min_ps):
    return pl.pallas_call(
        _finish_body,
        out_shape=jax.ShapeDtypeStruct((B, 1), jnp.int32),
    )(vals, idx, m, s,
      temperatures.reshape(B, 1).astype(jnp.float32),
      top_ks.reshape(B, 1).astype(jnp.int32),
      top_ps.reshape(B, 1).astype(jnp.float32),
      min_ps.reshape(B, 1).astype(jnp.float32))


def kernel(logits, temperatures, top_ks, top_ps, min_ps):
    vals, idx = _sc_topk(logits)
    m, s = _tc_stats(logits, temperatures)
    out = _tc_finish(vals, idx, m, s, temperatures, top_ks, top_ps, min_ps)
    return out.reshape(B).astype(jnp.int32)

# --- scband reference (transcript-rebuilt; emitter-appended) ---
"""Pipeline reference for scband-sampler-50921132262004 (READ-ONLY COPY).

The authoritative reference and input builder live on the scoring server;
editing this copy changes nothing except your own understanding.
"""

import jax, jax.numpy as jnp
import numpy as np

B = 128
V = 100000

def setup_inputs(seed: int = 0) -> dict:
    key = jax.random.key(seed)
    k1, k2, k3, k4 = jax.random.split(key, 4)
    logits = jax.random.normal(k1, (B, V), dtype=jnp.float32)
    temperatures = jnp.ones((B,), dtype=jnp.float32)
    top_ks = jax.random.randint(k2, (B,), 1, 64).astype(jnp.int64)
    top_ps = jax.random.uniform(k3, (B,), dtype=jnp.float32)
    min_ps = jax.random.uniform(k4, (B,), dtype=jnp.float32)
    return {"logits": logits, "temperatures": temperatures, "top_ks": top_ks, "top_ps": top_ps, "min_ps": min_ps}

def reference(logits, temperatures, top_ks, top_ps, min_ps):
    # logits.div_(temperatures); probs = softmax(logits)
    logits = logits / temperatures[:, None]
    probs = jax.nn.softmax(logits, axis=-1)
    # sort descending, keep original indices
    order = jnp.argsort(-probs, axis=-1)
    probs_sort = jnp.take_along_axis(probs, order, axis=-1)
    probs_sum = jnp.cumsum(probs_sort, axis=-1)
    min_p_thresholds = probs_sort[:, 0] * min_ps
    # top-p mask
    mask_top_p = (probs_sum - probs_sort) > top_ps[:, None]
    probs_sort = jnp.where(mask_top_p, 0.0, probs_sort)
    # top-k mask
    ranks = jnp.arange(V, dtype=jnp.int64)[None, :]
    mask_top_k = ranks >= top_ks[:, None]
    probs_sort = jnp.where(mask_top_k, 0.0, probs_sort)
    # min-p mask
    mask_min_p = probs_sort < min_p_thresholds[:, None]
    probs_sort = jnp.where(mask_min_p, 0.0, probs_sort)
    # renormalize by max (matches probs_sort.div_(max))
    probs_sort = probs_sort / jnp.max(probs_sort, axis=-1, keepdims=True)
    # multinomial sampling (categorical over masked distribution)
    log_p = jnp.where(probs_sort > 0, jnp.log(jnp.maximum(probs_sort, 1e-38)), -jnp.inf)
    sample_key = jax.random.key(42)
    sampled_index = jax.random.categorical(sample_key, log_p, axis=-1)
    batch_next_token_ids = jnp.take_along_axis(order, sampled_index[:, None], axis=1)[:, 0]
    return batch_next_token_ids.astype(jnp.int32)

if __name__ == "__main__":
    import jax
    _d = setup_inputs()
    print(jax.jit(kernel)(*tuple(_d.values())))

</pallas_src>

<mosaic_0001>
#map = affine_map<(d0, d1) -> (0, 0)>
module attributes {stable_mosaic.version = 14 : i64} {
  func.func @_sc_body(%arg0: i32, %arg1: i32, %arg2: memref<128x100000xf32, #tpu.memory_space<hbm>>, %arg3: memref<128x64xf32, #tpu.memory_space<hbm>>, %arg4: memref<128x64xi32, #tpu.memory_space<hbm>>, %arg5: memref<100000xf32, #tpu.memory_space<vmem>>, %arg6: memref<16384xi32, #tpu.memory_space<vmem>>, %arg7: memref<1040xf32, #tpu.memory_space<vmem>>, %arg8: memref<1040xi32, #tpu.memory_space<vmem>>, %arg9: memref<64xf32, #tpu.memory_space<vmem>>, %arg10: memref<64xi32, #tpu.memory_space<vmem>>, %arg11: memref<656xf32, #tpu.memory_space<vmem>>, %arg12: memref<672xi32, #tpu.memory_space<vmem>>) attributes {dimension_semantics = [#tpu.dimension_semantics<core_parallel>, #tpu.dimension_semantics<subcore_parallel>], iteration_bounds = array<i64: 2, 16>, scalar_prefetch = 0 : i64, scratch_operands = 8 : i64, tpu.core_type = #tpu.core_type<sc_vector_subcore>, window_params = [{transform_indices = #map}, {transform_indices = #map}, {transform_indices = #map}]} {
    %mul3A = arith.constant 2 : i32
    %mul3A_0 = arith.muli %arg1, %mul3A : i32
    %add3A = arith.addi %mul3A_0, %arg0 : i32
    %scan3A = arith.constant 0 : i32
    %scan3A_1 = arith.constant 0 : i32
    %scan3A_2 = arith.constant 256 : i32
    %scan3A_3 = arith.addi %scan3A_1, %scan3A_2 : i32
    %scan3A_4 = arith.constant 1 : i32
    %scan3A_5 = scf.for %scan3A_21 = %scan3A_1 to %scan3A_3 step %scan3A_4 iter_args(%scan3A_22 = %scan3A) -> (i32)  : i32 {
      %broadcast_in_dim3A = arith.constant 0 : i32
      %broadcast_in_dim3A_23 = vector.broadcast %broadcast_in_dim3A : i32 to vector<16xi32>
      %mul3A_24 = arith.constant 4 : i32
      %mul3A_25 = arith.muli %scan3A_21, %mul3A_24 : i32
      %add3A_26 = arith.constant 0 : i32
      %add3A_27 = arith.addi %mul3A_25, %add3A_26 : i32
      %mul3A_28 = arith.constant 16 : i32
      %mul3A_29 = arith.muli %add3A_27, %mul3A_28 : i32
      %swap3A = arith.index_cast %mul3A_29 : i32 to index
      %swap3A_30 = tpu.vector_load %arg6[%swap3A] {strides = array<i32>} : memref<16384xi32, #tpu.memory_space<vmem>>, vector<16xi32>,
      tpu.vector_store %arg6[%swap3A], %broadcast_in_dim3A_23 {strides = array<i32>} : memref<16384xi32, #tpu.memory_space<vmem>>, vector<16xi32>,
      %broadcast_in_dim3A_31 = arith.constant 0 : i32
      %broadcast_in_dim3A_32 = vector.broadcast %broadcast_in_dim3A_31 : i32 to vector<16xi32>
      %mul3A_33 = arith.constant 4 : i32
      %mul3A_34 = arith.muli %scan3A_21, %mul3A_33 : i32
      %add3A_35 = arith.constant 1 : i32
      %add3A_36 = arith.addi %mul3A_34, %add3A_35 : i32
      %mul3A_37 = arith.constant 16 : i32
      %mul3A_38 = arith.muli %add3A_36, %mul3A_37 : i32
      %swap3A_39 = arith.index_cast %mul3A_38 : i32 to index
      %swap3A_40 = tpu.vector_load %arg6[%swap3A_39] {strides = array<i32>} : memref<16384xi32, #tpu.memory_space<vmem>>, vector<16xi32>,
      tpu.vector_store %arg6[%swap3A_39], %broadcast_in_dim3A_32 {strides = array<i32>} : memref<16384xi32, #tpu.memory_space<vmem>>, vector<16xi32>,
      %broadcast_in_dim3A_41 = arith.constant 0 : i32
      %broadcast_in_dim3A_42 = vector.broadcast %broadcast_in_dim3A_41 : i32 to vector<16xi32>
      %mul3A_43 = arith.constant 4 : i32
      %mul3A_44 = arith.muli %scan3A_21, %mul3A_43 : i32
      %add3A_45 = arith.constant 2 : i32
      %add3A_46 = arith.addi %mul3A_44, %add3A_45 : i32
      %mul3A_47 = arith.constant 16 : i32
      %mul3A_48 = arith.muli %add3A_46, %mul3A_47 : i32
      %swap3A_49 = arith.index_cast %mul3A_48 : i32 to index
      %swap3A_50 = tpu.vector_load %arg6[%swap3A_49] {strides = array<i32>} : memref<16384xi32, #tpu.memory_space<vmem>>, vector<16xi32>,
      tpu.vector_store %arg6[%swap3A_49], %broadcast_in_dim3A_42 {strides = array<i32>} : memref<16384xi32, #tpu.memory_space<vmem>>, vector<16xi32>,
      %broadcast_in_dim3A_51 = arith.constant 0 : i32
      %broadcast_in_dim3A_52 = vector.broadcast %broadcast_in_dim3A_51 : i32 to vector<16xi32>
      %mul3A_53 = arith.constant 4 : i32
      %mul3A_54 = arith.muli %scan3A_21, %mul3A_53 : i32
      %add3A_55 = arith.constant 3 : i32
      %add3A_56 = arith.addi %mul3A_54, %add3A_55 : i32
      %mul3A_57 = arith.constant 16 : i32
      %mul3A_58 = arith.muli %add3A_56, %mul3A_57 : i32
      %swap3A_59 = arith.index_cast %mul3A_58 : i32 to index
      %swap3A_60 = tpu.vector_load %arg6[%swap3A_59] {strides = array<i32>} : memref<16384xi32, #tpu.memory_space<vmem>>, vector<16xi32>,
      tpu.vector_store %arg6[%swap3A_59], %broadcast_in_dim3A_52 {strides = array<i32>} : memref<16384xi32, #tpu.memory_space<vmem>>, vector<16xi32>,
      %scan3A_61 = arith.constant 0 : i32
      scf.yield %scan3A_61 : i32
    }
    %scan3A_6 = arith.constant 256 : i32
    %scan3A_7 = arith.constant 0 : i32
    %scan3A_8 = arith.constant 0 : i32
    %scan3A_9 = arith.constant 41 : i32
    %scan3A_10 = arith.addi %scan3A_8, %scan3A_9 : i32
    %scan3A_11 = arith.constant 1 : i32
    %scan3A_12 = scf.for %scan3A_21 = %scan3A_8 to %scan3A_10 step %scan3A_11 iter_args(%scan3A_22 = %scan3A_7) -> (i32)  : i32 {
      %broadcast_in_dim3A = arith.constant 0xFF800000 : f32
      %broadcast_in_dim3A_23 = vector.broadcast %broadcast_in_dim3A : f32 to vector<16xf32>
      %mul3A_24 = arith.constant 16 : i32
      %mul3A_25 = arith.muli %scan3A_21, %mul3A_24 : i32
      %swap3A = arith.index_cast %mul3A_25 : i32 to index
      %swap3A_26 = tpu.vector_load %arg11[%swap3A] {strides = array<i32>} : memref<656xf32, #tpu.memory_space<vmem>>, vector<16xf32>,
      tpu.vector_store %arg11[%swap3A], %broadcast_in_dim3A_23 {strides = array<i32>} : memref<656xf32, #tpu.memory_space<vmem>>, vector<16xf32>,
      %scan3A_27 = arith.constant 0 : i32
      scf.yield %scan3A_27 : i32
    }
    %scan3A_13 = arith.constant 41 : i32
    %scan3A_14 = arith.constant 0 : i32
    %scan3A_15 = arith.constant 0 : i32
    %scan3A_16 = arith.constant 4 : i32
    %scan3A_17 = arith.addi %scan3A_15, %scan3A_16 : i32
    %scan3A_18 = arith.constant 1 : i32
    %scan3A_19 = scf.for %scan3A_21 = %scan3A_15 to %scan3A_17 step %scan3A_18 iter_args(%scan3A_22 = %scan3A_14) -> (i32)  : i32 {
      %mul3A_23 = arith.constant 4 : i32
      %mul3A_24 = arith.muli %add3A, %mul3A_23 : i32
      %add3A_25 = arith.addi %mul3A_24, %scan3A_21 : i32
      "tpu.region"() ({
        %run_scoped3A = tpu.sem_alloc : memref<!tpu.dma_semaphore, #tpu.memory_space<semaphore_mem>>
        %dma_start3A = arith.constant 0 : i32
        %dma_start3A_119 = tpu.memref_slice %arg2[%add3A_25, %dma_start3A] : memref<128x100000xf32, #tpu.memory_space<hbm>> -> memref<1x100000xf32, #tpu.memory_space<hbm>>
        %dma_start3A_120 = tpu.memref_squeeze %dma_start3A_119 : memref<1x100000xf32, #tpu.memory_space<hbm>> -> memref<100000xf32, #tpu.memory_space<hbm>>
        %dma_start3A_121 = arith.constant 0 : i32
        %dma_start3A_122 = tpu.memref_slice %arg2[%add3A_25, %dma_start3A_121] : memref<128x100000xf32, #tpu.memory_space<hbm>> -> memref<1x100000xf32, #tpu.memory_space<hbm>>
        %dma_start3A_123 = tpu.memref_squeeze %dma_start3A_122 : memref<1x100000xf32, #tpu.memory_space<hbm>> -> memref<100000xf32, #tpu.memory_space<hbm>>
        tpu.enqueue_dma source(%dma_start3A_123 : memref<100000xf32, #tpu.memory_space<hbm>>) target(%arg5 : memref<100000xf32, #tpu.memory_space<vmem>>) target_semaphore(%run_scoped3A : memref<!tpu.dma_semaphore, #tpu.memory_space<semaphore_mem>>)
        %dma_wait3A = arith.constant 0 : i32
        %dma_wait3A_124 = tpu.memref_slice %arg2[%add3A_25, %dma_wait3A] : memref<128x100000xf32, #tpu.memory_space<hbm>> -> memref<1x100000xf32, #tpu.memory_space<hbm>>
        %dma_wait3A_125 = tpu.memref_squeeze %dma_wait3A_124 : memref<1x100000xf32, #tpu.memory_space<hbm>> -> memref<100000xf32, #tpu.memory_space<hbm>>
        %dma_wait3A_126 = arith.constant 0 : i32
        %dma_wait3A_127 = tpu.memref_slice %arg2[%add3A_25, %dma_wait3A_126] : memref<128x100000xf32, #tpu.memory_space<hbm>> -> memref<1x100000xf32, #tpu.memory_space<hbm>>
        %dma_wait3A_128 = tpu.memref_squeeze %dma_wait3A_127 : memref<1x100000xf32, #tpu.memory_space<hbm>> -> memref<100000xf32, #tpu.memory_space<hbm>>
        tpu.wait_dma2 semaphore(%run_scoped3A : memref<!tpu.dma_semaphore, #tpu.memory_space<semaphore_mem>>) src(%dma_wait3A_128 : memref<100000xf32, #tpu.memory_space<hbm>>) dst(%arg5 : memref<100000xf32, #tpu.memory_space<vmem>>)
        tpu.yield
      }) : () -> ()
      %iota3A = tpu.iota {dimensions = array<i32: 0>} : vector<16xi32>
      %shift_left3A = arith.constant 10 : i32
      %shift_left3A_26 = vector.broadcast %shift_left3A : i32 to vector<16xi32>
      %shift_left3A_27 = arith.shli %iota3A, %shift_left3A_26 : vector<16xi32>
      %broadcast_in_dim3A = arith.constant 1 : i32
      %broadcast_in_dim3A_28 = vector.broadcast %broadcast_in_dim3A : i32 to vector<16xi32>
      %eq3A = arith.constant 0 : i32
      %eq3A_29 = vector.broadcast %eq3A : i32 to vector<16xi32>
      %eq3A_30 = arith.cmpi eq, %iota3A, %eq3A_29 : vector<16xi32>
      %parallel_loop3A = arith.constant 0 : i32
      %parallel_loop3A_31 = arith.constant 625 : i32
      %parallel_loop3A_32 = arith.constant 1 : i32
      scf.for %parallel_loop3A_119 = %parallel_loop3A to %parallel_loop3A_31 step %parallel_loop3A_32  : i32 {
        %parallel_loop3A_120 = arith.constant 0xFF800000 : f32
        %parallel_loop3A_121 = vector.broadcast %parallel_loop3A_120 : f32 to vector<16xf32>
        %parallel_loop3A_122 = arith.constant 10 : i32
        %parallel_loop3A_123 = arith.muli %parallel_loop3A_119, %parallel_loop3A_122 : i32
        %parallel_loop3A_124 = arith.constant 0 : i32
        %parallel_loop3A_125 = arith.addi %parallel_loop3A_123, %parallel_loop3A_124 : i32
        %parallel_loop3A_126 = arith.constant 16 : i32
        %parallel_loop3A_127 = arith.muli %parallel_loop3A_125, %parallel_loop3A_126 : i32
        %parallel_loop3A_128 = arith.index_cast %parallel_loop3A_127 : i32 to index
        %parallel_loop3A_129 = tpu.vector_load %arg5[%parallel_loop3A_128] {strides = array<i32>} : memref<100000xf32, #tpu.memory_space<vmem>>, vector<16xf32>,
        %parallel_loop3A_130 = arith.maximumf %parallel_loop3A_121, %parallel_loop3A_129 : vector<16xf32>
        %parallel_loop3A_131 = arith.constant 10 : i32
        %parallel_loop3A_132 = arith.muli %parallel_loop3A_119, %parallel_loop3A_131 : i32
        %parallel_loop3A_133 = arith.constant 1 : i32
        %parallel_loop3A_134 = arith.addi %parallel_loop3A_132, %parallel_loop3A_133 : i32
        %parallel_loop3A_135 = arith.constant 16 : i32
        %parallel_loop3A_136 = arith.muli %parallel_loop3A_134, %parallel_loop3A_135 : i32
        %parallel_loop3A_137 = arith.index_cast %parallel_loop3A_136 : i32 to index
        %parallel_loop3A_138 = tpu.vector_load %arg5[%parallel_loop3A_137] {strides = array<i32>} : memref<100000xf32, #tpu.memory_space<vmem>>, vector<16xf32>,
        %parallel_loop3A_139 = arith.maximumf %parallel_loop3A_130, %parallel_loop3A_138 : vector<16xf32>
        %parallel_loop3A_140 = arith.constant 10 : i32
        %parallel_loop3A_141 = arith.muli %parallel_loop3A_119, %parallel_loop3A_140 : i32
        %parallel_loop3A_142 = arith.constant 2 : i32
        %parallel_loop3A_143 = arith.addi %parallel_loop3A_141, %parallel_loop3A_142 : i32
        %parallel_loop3A_144 = arith.constant 16 : i32
        %parallel_loop3A_145 = arith.muli %parallel_loop3A_143, %parallel_loop3A_144 : i32
        %parallel_loop3A_146 = arith.index_cast %parallel_loop3A_145 : i32 to index
        %parallel_loop3A_147 = tpu.vector_load %arg5[%parallel_loop3A_146] {strides = array<i32>} : memref<100000xf32, #tpu.memory_space<vmem>>, vector<16xf32>,
        %parallel_loop3A_148 = arith.maximumf %parallel_loop3A_139, %parallel_loop3A_147 : vector<16xf32>
        %parallel_loop3A_149 = arith.constant 10 : i32
        %parallel_loop3A_150 = arith.muli %parallel_loop3A_119, %parallel_loop3A_149 : i32
        %parallel_loop3A_151 = arith.constant 3 : i32
        %parallel_loop3A_152 = arith.addi %parallel_loop3A_150, %parallel_loop3A_151 : i32
        %parallel_loop3A_153 = arith.constant 16 : i32
        %parallel_loop3A_154 = arith.muli %parallel_loop3A_152, %parallel_loop3A_153 : i32
        %parallel_loop3A_155 = arith.index_cast %parallel_loop3A_154 : i32 to index
        %parallel_loop3A_156 = tpu.vector_load %arg5[%parallel_loop3A_155] {strides = array<i32>} : memref<100000xf32, #tpu.memory_space<vmem>>, vector<16xf32>,
        %parallel_loop3A_157 = arith.maximumf %parallel_loop3A_148, %parallel_loop3A_156 : vector<16xf32>
        %parallel_loop3A_158 = arith.constant 10 : i32
        %parallel_loop3A_159 = arith.muli %parallel_loop3A_119, %parallel_loop3A_158 : i32
        %parallel_loop3A_160 = arith.constant 4 : i32
        %parallel_loop3A_161 = arith.addi %parallel_loop3A_159, %parallel_loop3A_160 : i32
        %parallel_loop3A_162 = arith.constant 16 : i32
        %parallel_loop3A_163 = arith.muli %parallel_loop3A_161, %parallel_loop3A_162 : i32
        %parallel_loop3A_164 = arith.index_cast %parallel_loop3A_163 : i32 to index
        %parallel_loop3A_165 = tpu.vector_load %arg5[%parallel_loop3A_164] {strides = array<i32>} : memref<100000xf32, #tpu.memory_space<vmem>>, vector<16xf32>,
        %parallel_loop3A_166 = arith.maximumf %parallel_loop3A_157, %parallel_loop3A_165 : vector<16xf32>
        %parallel_loop3A_167 = arith.constant 10 : i32
        %parallel_loop3A_168 = arith.muli %parallel_loop3A_119, %parallel_loop3A_167 : i32
        %parallel_loop3A_169 = arith.constant 5 : i32
        %parallel_loop3A_170 = arith.addi %parallel_loop3A_168, %parallel_loop3A_169 : i32
        %parallel_loop3A_171 = arith.constant 16 : i32
        %parallel_loop3A_172 = arith.muli %parallel_loop3A_170, %parallel_loop3A_171 : i32
        %parallel_loop3A_173 = arith.index_cast %parallel_loop3A_172 : i32 to index
        %parallel_loop3A_174 = tpu.vector_load %arg5[%parallel_loop3A_173] {strides = array<i32>} : memref<100000xf32, #tpu.memory_space<vmem>>, vector<16xf32>,
        %parallel_loop3A_175 = arith.maximumf %parallel_loop3A_166, %parallel_loop3A_174 : vector<16xf32>
        %parallel_loop3A_176 = arith.constant 10 : i32
        %parallel_loop3A_177 = arith.muli %parallel_loop3A_119, %parallel_loop3A_176 : i32
        %parallel_loop3A_178 = arith.constant 6 : i32
        %parallel_loop3A_179 = arith.addi %parallel_loop3A_177, %parallel_loop3A_178 : i32
        %parallel_loop3A_180 = arith.constant 16 : i32
        %parallel_loop3A_181 = arith.muli %parallel_loop3A_179, %parallel_loop3A_180 : i32
        %parallel_loop3A_182 = arith.index_cast %parallel_loop3A_181 : i32 to index
        %parallel_loop3A_183 = tpu.vector_load %arg5[%parallel_loop3A_182] {strides = array<i32>} : memref<100000xf32, #tpu.memory_space<vmem>>, vector<16xf32>,
        %parallel_loop3A_184 = arith.maximumf %parallel_loop3A_175, %parallel_loop3A_183 : vector<16xf32>
        %parallel_loop3A_185 = arith.constant 10 : i32
        %parallel_loop3A_186 = arith.muli %parallel_loop3A_119, %parallel_loop3A_185 : i32
        %parallel_loop3A_187 = arith.constant 7 : i32
        %parallel_loop3A_188 = arith.addi %parallel_loop3A_186, %parallel_loop3A_187 : i32
        %parallel_loop3A_189 = arith.constant 16 : i32
        %parallel_loop3A_190 = arith.muli %parallel_loop3A_188, %parallel_loop3A_189 : i32
        %parallel_loop3A_191 = arith.index_cast %parallel_loop3A_190 : i32 to index
        %parallel_loop3A_192 = tpu.vector_load %arg5[%parallel_loop3A_191] {strides = array<i32>} : memref<100000xf32, #tpu.memory_space<vmem>>, vector<16xf32>,
        %parallel_loop3A_193 = arith.maximumf %parallel_loop3A_184, %parallel_loop3A_192 : vector<16xf32>
        %parallel_loop3A_194 = arith.constant 10 : i32
        %parallel_loop3A_195 = arith.muli %parallel_loop3A_119, %parallel_loop3A_194 : i32
        %parallel_loop3A_196 = arith.constant 8 : i32
        %parallel_loop3A_197 = arith.addi %parallel_loop3A_195, %parallel_loop3A_196 : i32
        %parallel_loop3A_198 = arith.constant 16 : i32
        %parallel_loop3A_199 = arith.muli %parallel_loop3A_197, %parallel_loop3A_198 : i32
        %parallel_loop3A_200 = arith.index_cast %parallel_loop3A_199 : i32 to index
        %parallel_loop3A_201 = tpu.vector_load %arg5[%parallel_loop3A_200] {strides = array<i32>} : memref<100000xf32, #tpu.memory_space<vmem>>, vector<16xf32>,
        %parallel_loop3A_202 = arith.maximumf %parallel_loop3A_193, %parallel_loop3A_201 : vector<16xf32>
        %parallel_loop3A_203 = arith.constant 10 : i32
        %parallel_loop3A_204 = arith.muli %parallel_loop3A_119, %parallel_loop3A_203 : i32
        %parallel_loop3A_205 = arith.constant 9 : i32
        %parallel_loop3A_206 = arith.addi %parallel_loop3A_204, %parallel_loop3A_205 : i32
        %parallel_loop3A_207 = arith.constant 16 : i32
        %parallel_loop3A_208 = arith.muli %parallel_loop3A_206, %parallel_loop3A_207 : i32
        %parallel_loop3A_209 = arith.index_cast %parallel_loop3A_208 : i32 to index
        %parallel_loop3A_210 = tpu.vector_load %arg5[%parallel_loop3A_209] {strides = array<i32>} : memref<100000xf32, #tpu.memory_space<vmem>>, vector<16xf32>,
        %parallel_loop3A_211 = arith.maximumf %parallel_loop3A_202, %parallel_loop3A_210 : vector<16xf32>
        %parallel_loop3A_212 = vector.broadcast %parallel_loop3A_119 : i32 to vector<16xi32>
        %parallel_loop3A_213 = arith.constant true
        %parallel_loop3A_214 = vector.broadcast %parallel_loop3A_213 : i1 to vector<16xi1>
        %parallel_loop3A_215 = tpu.scan <max>, %parallel_loop3A_211 masked %parallel_loop3A_214 : vector<16xf32>, vector<16xi1> -> vector<16xf32>
        %parallel_loop3A_216 = vector.extract %parallel_loop3A_215[15] : f32 from vector<16xf32>
        %parallel_loop3A_217 = vector.broadcast %parallel_loop3A_216 : f32 to vector<16xf32>
        tpu.vector_store_idx %arg11[%parallel_loop3A_212], %parallel_loop3A_217 masked %eq3A_30 : memref<656xf32, #tpu.memory_space<vmem>>[vector<16xi32>], vector<16xf32>, vector<16xi1>
      } {sc.loop_unroll_factor = 4 : i64, sc.parallel_access}
      %scan3A_33 = arith.constant 0 : i32
      %scan3A_34 = arith.constant 0 : i32
      %scan3A_35 = arith.constant 41 : i32
      %scan3A_36 = arith.addi %scan3A_34, %scan3A_35 : i32
      %scan3A_37 = arith.constant 1 : i32
      %scan3A_38 = scf.for %scan3A_119 = %scan3A_34 to %scan3A_36 step %scan3A_37 iter_args(%scan3A_120 = %scan3A_33) -> (i32)  : i32 {
        %mul3A_121 = arith.constant 16 : i32
        %mul3A_122 = arith.muli %scan3A_119, %mul3A_121 : i32
        %broadcast_in_dim3A_123 = vector.broadcast %mul3A_122 : i32 to vector<16xi32>
        %add3A_124 = arith.addi %broadcast_in_dim3A_123, %iota3A : vector<16xi32>
        %mul3A_125 = arith.constant 16 : i32
        %mul3A_126 = arith.muli %scan3A_119, %mul3A_125 : i32
        %get3A = arith.index_cast %mul3A_126 : i32 to index
        %get3A_127 = tpu.vector_load %arg11[%get3A] {strides = array<i32>} : memref<656xf32, #tpu.memory_space<vmem>>, vector<16xf32>,
        %bitcast3A_128 = vector.bitcast %get3A_127 : vector<16xf32> to vector<16xi32>
        %shift_right_logical3A = arith.constant 22 : i32
        %shift_right_logical3A_129 = vector.broadcast %shift_right_logical3A : i32 to vector<16xi32>
        %shift_right_logical3A_130 = arith.shrui %bitcast3A_128, %shift_right_logical3A_129 : vector<16xi32>
        %shift_right_arithmetic3A = arith.constant 31 : i32
        %shift_right_arithmetic3A_131 = vector.broadcast %shift_right_arithmetic3A : i32 to vector<16xi32>
        %shift_right_arithmetic3A_132 = arith.shrsi %bitcast3A_128, %shift_right_arithmetic3A_131 : vector<16xi32>
        %and3A_133 = arith.constant 511 : i32
        %and3A_134 = vector.broadcast %and3A_133 : i32 to vector<16xi32>
        %and3A_135 = arith.andi %shift_right_arithmetic3A_132, %and3A_134 : vector<16xi32>
        %or3A = arith.constant 512 : i32
        %or3A_136 = vector.broadcast %or3A : i32 to vector<16xi32>
        %or3A_137 = arith.ori %or3A_136, %and3A_135 : vector<16xi32>
        %xor3A_138 = arith.xori %shift_right_logical3A_130, %or3A_137 : vector<16xi32>
        %add3A_139 = arith.addi %xor3A_138, %shift_left3A_27 : vector<16xi32>
        %lt3A_140 = arith.constant 625 : i32
        %lt3A_141 = vector.broadcast %lt3A_140 : i32 to vector<16xi32>
        %lt3A_142 = arith.cmpi slt, %add3A_124, %lt3A_141 : vector<16xi32>
        tpu.vector_store_idx %arg6[%add3A_139], %broadcast_in_dim3A_28 masked %lt3A_142 {add = true} : memref<16384xi32, #tpu.memory_space<vmem>>[vector<16xi32>], vector<16xi32>, vector<16xi1>
        %scan3A_143 = arith.constant 0 : i32
        scf.yield %scan3A_143 : i32
      }
      %scan3A_39 = arith.constant 41 : i32
      %broadcast_in_dim3A_40 = arith.constant 0 : i32
      %broadcast_in_dim3A_41 = vector.broadcast %broadcast_in_dim3A_40 : i32 to vector<16xi32>
      %scan3A_42 = arith.constant 0 : i32
      %scan3A_43 = arith.constant 0 : i32
      %scan3A_44 = arith.constant 64 : i32
      %scan3A_45 = arith.addi %scan3A_43, %scan3A_44 : i32
      %scan3A_46 = arith.constant 1 : i32
      %scan3A_47:2 = scf.for %scan3A_119 = %scan3A_43 to %scan3A_45 step %scan3A_46 iter_args(%scan3A_120 = %scan3A_42, %scan3A_121 = %broadcast_in_dim3A_41) -> (i32, vector<16xi32>)  : i32 {
        %sub3A_122 = arith.constant 63 : i32
        %sub3A_123 = arith.subi %sub3A_122, %scan3A_119 : i32
        %mul3A_124 = arith.constant 16 : i32
        %mul3A_125 = arith.muli %sub3A_123, %mul3A_124 : i32
        %get3A = arith.index_cast %mul3A_125 : i32 to index
        %get3A_126 = tpu.vector_load %arg6[%get3A] {strides = array<i32>} : memref<16384xi32, #tpu.memory_space<vmem>>, vector<16xi32>,
        %broadcast_in_dim3A_127 = arith.constant 0 : i32
        %broadcast_in_dim3A_128 = vector.broadcast %broadcast_in_dim3A_127 : i32 to vector<16xi32>
        %swap3A = arith.index_cast %mul3A_125 : i32 to index
        %swap3A_129 = tpu.vector_load %arg6[%swap3A] {strides = array<i32>} : memref<16384xi32, #tpu.memory_space<vmem>>, vector<16xi32>,
        tpu.vector_store %arg6[%swap3A], %broadcast_in_dim3A_128 {strides = array<i32>} : memref<16384xi32, #tpu.memory_space<vmem>>, vector<16xi32>,
        %add3A_130 = arith.constant 1024 : i32
        %add3A_131 = arith.addi %add3A_130, %mul3A_125 : i32
        %get3A_132 = arith.index_cast %add3A_131 : i32 to index
        %get3A_133 = tpu.vector_load %arg6[%get3A_132] {strides = array<i32>} : memref<16384xi32, #tpu.memory_space<vmem>>, vector<16xi32>,
        %add3A_134 = arith.addi %get3A_126, %get3A_133 : vector<16xi32>
        %broadcast_in_dim3A_135 = arith.constant 0 : i32
        %broadcast_in_dim3A_136 = vector.broadcast %broadcast_in_dim3A_135 : i32 to vector<16xi32>
        %swap3A_137 = arith.index_cast %add3A_131 : i32 to index
        %swap3A_138 = tpu.vector_load %arg6[%swap3A_137] {strides = array<i32>} : memref<16384xi32, #tpu.memory_space<vmem>>, vector<16xi32>,
        tpu.vector_store %arg6[%swap3A_137], %broadcast_in_dim3A_136 {strides = array<i32>} : memref<16384xi32, #tpu.memory_space<vmem>>, vector<16xi32>,
        %add3A_139 = arith.constant 2048 : i32
        %add3A_140 = arith.addi %add3A_139, %mul3A_125 : i32
        %get3A_141 = arith.index_cast %add3A_140 : i32 to index
        %get3A_142 = tpu.vector_load %arg6[%get3A_141] {strides = array<i32>} : memref<16384xi32, #tpu.memory_space<vmem>>, vector<16xi32>,
        %add3A_143 = arith.addi %add3A_134, %get3A_142 : vector<16xi32>
        %broadcast_in_dim3A_144 = arith.constant 0 : i32
        %broadcast_in_dim3A_145 = vector.broadcast %broadcast_in_dim3A_144 : i32 to vector<16xi32>
        %swap3A_146 = arith.index_cast %add3A_140 : i32 to index
        %swap3A_147 = tpu.vector_load %arg6[%swap3A_146] {strides = array<i32>} : memref<16384xi32, #tpu.memory_space<vmem>>, vector<16xi32>,
        tpu.vector_store %arg6[%swap3A_146], %broadcast_in_dim3A_145 {strides = array<i32>} : memref<16384xi32, #tpu.memory_space<vmem>>, vector<16xi32>,
        %add3A_148 = arith.constant 3072 : i32
        %add3A_149 = arith.addi %add3A_148, %mul3A_125 : i32
        %get3A_150 = arith.index_cast %add3A_149 : i32 to index
        %get3A_151 = tpu.vector_load %arg6[%get3A_150] {strides = array<i32>} : memref<16384xi32, #tpu.memory_space<vmem>>, vector<16xi32>,
        %add3A_152 = arith.addi %add3A_143, %get3A_151 : vector<16xi32>
        %broadcast_in_dim3A_153 = arith.constant 0 : i32
        %broadcast_in_dim3A_154 = vector.broadcast %broadcast_in_dim3A_153 : i32 to vector<16xi32>
        %swap3A_155 = arith.index_cast %add3A_149 : i32 to index
        %swap3A_156 = tpu.vector_load %arg6[%swap3A_155] {strides = array<i32>} : memref<16384xi32, #tpu.memory_space<vmem>>, vector<16xi32>,
        tpu.vector_store %arg6[%swap3A_155], %broadcast_in_dim3A_154 {strides = array<i32>} : memref<16384xi32, #tpu.memory_space<vmem>>, vector<16xi32>,
        %add3A_157 = arith.constant 4096 : i32
        %add3A_158 = arith.addi %add3A_157, %mul3A_125 : i32
        %get3A_159 = arith.index_cast %add3A_158 : i32 to index
        %get3A_160 = tpu.vector_load %arg6[%get3A_159] {strides = array<i32>} : memref<16384xi32, #tpu.memory_space<vmem>>, vector<16xi32>,
        %add3A_161 = arith.addi %add3A_152, %get3A_160 : vector<16xi32>
        %broadcast_in_dim3A_162 = arith.constant 0 : i32
        %broadcast_in_dim3A_163 = vector.broadcast %broadcast_in_dim3A_162 : i32 to vector<16xi32>
        %swap3A_164 = arith.index_cast %add3A_158 : i32 to index
        %swap3A_165 = tpu.vector_load %arg6[%swap3A_164] {strides = array<i32>} : memref<16384xi32, #tpu.memory_space<vmem>>, vector<16xi32>,
        tpu.vector_store %arg6[%swap3A_164], %broadcast_in_dim3A_163 {strides = array<i32>} : memref<16384xi32, #tpu.memory_space<vmem>>, vector<16xi32>,
        %add3A_166 = arith.constant 5120 : i32
        %add3A_167 = arith.addi %add3A_166, %mul3A_125 : i32
        %get3A_168 = arith.index_cast %add3A_167 : i32 to index
        %get3A_169 = tpu.vector_load %arg6[%get3A_168] {strides = array<i32>} : memref<16384xi32, #tpu.memory_space<vmem>>, vector<16xi32>,
        %add3A_170 = arith.addi %add3A_161, %get3A_169 : vector<16xi32>
        %broadcast_in_dim3A_171 = arith.constant 0 : i32
        %broadcast_in_dim3A_172 = vector.broadcast %broadcast_in_dim3A_171 : i32 to vector<16xi32>
        %swap3A_173 = arith.index_cast %add3A_167 : i32 to index
        %swap3A_174 = tpu.vector_load %arg6[%swap3A_173] {strides = array<i32>} : memref<16384xi32, #tpu.memory_space<vmem>>, vector<16xi32>,
        tpu.vector_store %arg6[%swap3A_173], %broadcast_in_dim3A_172 {strides = array<i32>} : memref<16384xi32, #tpu.memory_space<vmem>>, vector<16xi32>,
        %add3A_175 = arith.constant 6144 : i32
        %add3A_176 = arith.addi %add3A_175, %mul3A_125 : i32
        %get3A_177 = arith.index_cast %add3A_176 : i32 to index
        %get3A_178 = tpu.vector_load %arg6[%get3A_177] {strides = array<i32>} : memref<16384xi32, #tpu.memory_space<vmem>>, vector<16xi32>,
        %add3A_179 = arith.addi %add3A_170, %get3A_178 : vector<16xi32>
        %broadcast_in_dim3A_180 = arith.constant 0 : i32
        %broadcast_in_dim3A_181 = vector.broadcast %broadcast_in_dim3A_180 : i32 to vector<16xi32>
        %swap3A_182 = arith.index_cast %add3A_176 : i32 to index
        %swap3A_183 = tpu.vector_load %arg6[%swap3A_182] {strides = array<i32>} : memref<16384xi32, #tpu.memory_space<vmem>>, vector<16xi32>,
        tpu.vector_store %arg6[%swap3A_182], %broadcast_in_dim3A_181 {strides = array<i32>} : memref<16384xi32, #tpu.memory_space<vmem>>, vector<16xi32>,
        %add3A_184 = arith.constant 7168 : i32
        %add3A_185 = arith.addi %add3A_184, %mul3A_125 : i32
        %get3A_186 = arith.index_cast %add3A_185 : i32 to index
        %get3A_187 = tpu.vector_load %arg6[%get3A_186] {strides = array<i32>} : memref<16384xi32, #tpu.memory_space<vmem>>, vector<16xi32>,
        %add3A_188 = arith.addi %add3A_179, %get3A_187 : vector<16xi32>
        %broadcast_in_dim3A_189 = arith.constant 0 : i32
        %broadcast_in_dim3A_190 = vector.broadcast %broadcast_in_dim3A_189 : i32 to vector<16xi32>
        %swap3A_191 = arith.index_cast %add3A_185 : i32 to index
        %swap3A_192 = tpu.vector_load %arg6[%swap3A_191] {strides = array<i32>} : memref<16384xi32, #tpu.memory_space<vmem>>, vector<16xi32>,
        tpu.vector_store %arg6[%swap3A_191], %broadcast_in_dim3A_190 {strides = array<i32>} : memref<16384xi32, #tpu.memory_space<vmem>>, vector<16xi32>,
        %add3A_193 = arith.constant 8192 : i32
        %add3A_194 = arith.addi %add3A_193, %mul3A_125 : i32
        %get3A_195 = arith.index_cast %add3A_194 : i32 to index
        %get3A_196 = tpu.vector_load %arg6[%get3A_195] {strides = array<i32>} : memref<16384xi32, #tpu.memory_space<vmem>>, vector<16xi32>,
        %add3A_197 = arith.addi %add3A_188, %get3A_196 : vector<16xi32>
        %broadcast_in_dim3A_198 = arith.constant 0 : i32
        %broadcast_in_dim3A_199 = vector.broadcast %broadcast_in_dim3A_198 : i32 to vector<16xi32>
        %swap3A_200 = arith.index_cast %add3A_194 : i32 to index
        %swap3A_201 = tpu.vector_load %arg6[%swap3A_200] {strides = array<i32>} : memref<16384xi32, #tpu.memory_space<vmem>>, vector<16xi32>,
        tpu.vector_store %arg6[%swap3A_200], %broadcast_in_dim3A_199 {strides = array<i32>} : memref<16384xi32, #tpu.memory_space<vmem>>, vector<16xi32>,
        %add3A_202 = arith.constant 9216 : i32
        %add3A_203 = arith.addi %add3A_202, %mul3A_125 : i32
        %get3A_204 = arith.index_cast %add3A_203 : i32 to index
        %get3A_205 = tpu.vector_load %arg6[%get3A_204] {strides = array<i32>} : memref<16384xi32, #tpu.memory_space<vmem>>, vector<16xi32>,
        %add3A_206 = arith.addi %add3A_197, %get3A_205 : vector<16xi32>
        %broadcast_in_dim3A_207 = arith.constant 0 : i32
        %broadcast_in_dim3A_208 = vector.broadcast %broadcast_in_dim3A_207 : i32 to vector<16xi32>
        %swap3A_209 = arith.index_cast %add3A_203 : i32 to index
        %swap3A_210 = tpu.vector_load %arg6[%swap3A_209] {strides = array<i32>} : memref<16384xi32, #tpu.memory_space<vmem>>, vector<16xi32>,
        tpu.vector_store %arg6[%swap3A_209], %broadcast_in_dim3A_208 {strides = array<i32>} : memref<16384xi32, #tpu.memory_space<vmem>>, vector<16xi32>,
        %add3A_211 = arith.constant 10240 : i32
        %add3A_212 = arith.addi %add3A_211, %mul3A_125 : i32
        %get3A_213 = arith.index_cast %add3A_212 : i32 to index
        %get3A_214 = tpu.vector_load %arg6[%get3A_213] {strides = array<i32>} : memref<16384xi32, #tpu.memory_space<vmem>>, vector<16xi32>,
        %add3A_215 = arith.addi %add3A_206, %get3A_214 : vector<16xi32>
        %broadcast_in_dim3A_216 = arith.constant 0 : i32
        %broadcast_in_dim3A_217 = vector.broadcast %broadcast_in_dim3A_216 : i32 to vector<16xi32>
        %swap3A_218 = arith.index_cast %add3A_212 : i32 to index
        %swap3A_219 = tpu.vector_load %arg6[%swap3A_218] {strides = array<i32>} : memref<16384xi32, #tpu.memory_space<vmem>>, vector<16xi32>,
        tpu.vector_store %arg6[%swap3A_218], %broadcast_in_dim3A_217 {strides = array<i32>} : memref<16384xi32, #tpu.memory_space<vmem>>, vector<16xi32>,
        %add3A_220 = arith.constant 11264 : i32
        %add3A_221 = arith.addi %add3A_220, %mul3A_125 : i32
        %get3A_222 = arith.index_cast %add3A_221 : i32 to index
        %get3A_223 = tpu.vector_load %arg6[%get3A_222] {strides = array<i32>} : memref<16384xi32, #tpu.memory_space<vmem>>, vector<16xi32>,
        %add3A_224 = arith.addi %add3A_215, %get3A_223 : vector<16xi32>
        %broadcast_in_dim3A_225 = arith.constant 0 : i32
        %broadcast_in_dim3A_226 = vector.broadcast %broadcast_in_dim3A_225 : i32 to vector<16xi32>
        %swap3A_227 = arith.index_cast %add3A_221 : i32 to index
        %swap3A_228 = tpu.vector_load %arg6[%swap3A_227] {strides = array<i32>} : memref<16384xi32, #tpu.memory_space<vmem>>, vector<16xi32>,
        tpu.vector_store %arg6[%swap3A_227], %broadcast_in_dim3A_226 {strides = array<i32>} : memref<16384xi32, #tpu.memory_space<vmem>>, vector<16xi32>,
        %add3A_229 = arith.constant 12288 : i32
        %add3A_230 = arith.addi %add3A_229, %mul3A_125 : i32
        %get3A_231 = arith.index_cast %add3A_230 : i32 to index
        %get3A_232 = tpu.vector_load %arg6[%get3A_231] {strides = array<i32>} : memref<16384xi32, #tpu.memory_space<vmem>>, vector<16xi32>,
        %add3A_233 = arith.addi %add3A_224, %get3A_232 : vector<16xi32>
        %broadcast_in_dim3A_234 = arith.constant 0 : i32
        %broadcast_in_dim3A_235 = vector.broadcast %broadcast_in_dim3A_234 : i32 to vector<16xi32>
        %swap3A_236 = arith.index_cast %add3A_230 : i32 to index
        %swap3A_237 = tpu.vector_load %arg6[%swap3A_236] {strides = array<i32>} : memref<16384xi32, #tpu.memory_space<vmem>>, vector<16xi32>,
        tpu.vector_store %arg6[%swap3A_236], %broadcast_in_dim3A_235 {strides = array<i32>} : memref<16384xi32, #tpu.memory_space<vmem>>, vector<16xi32>,
        %add3A_238 = arith.constant 13312 : i32
        %add3A_239 = arith.addi %add3A_238, %mul3A_125 : i32
        %get3A_240 = arith.index_cast %add3A_239 : i32 to index
        %get3A_241 = tpu.vector_load %arg6[%get3A_240] {strides = array<i32>} : memref<16384xi32, #tpu.memory_space<vmem>>, vector<16xi32>,
        %add3A_242 = arith.addi %add3A_233, %get3A_241 : vector<16xi32>
        %broadcast_in_dim3A_243 = arith.constant 0 : i32
        %broadcast_in_dim3A_244 = vector.broadcast %broadcast_in_dim3A_243 : i32 to vector<16xi32>
        %swap3A_245 = arith.index_cast %add3A_239 : i32 to index
        %swap3A_246 = tpu.vector_load %arg6[%swap3A_245] {strides = array<i32>} : memref<16384xi32, #tpu.memory_space<vmem>>, vector<16xi32>,
        tpu.vector_store %arg6[%swap3A_245], %broadcast_in_dim3A_244 {strides = array<i32>} : memref<16384xi32, #tpu.memory_space<vmem>>, vector<16xi32>,
        %add3A_247 = arith.constant 14336 : i32
        %add3A_248 = arith.addi %add3A_247, %mul3A_125 : i32
        %get3A_249 = arith.index_cast %add3A_248 : i32 to index
        %get3A_250 = tpu.vector_load %arg6[%get3A_249] {strides = array<i32>} : memref<16384xi32, #tpu.memory_space<vmem>>, vector<16xi32>,
        %add3A_251 = arith.addi %add3A_242, %get3A_250 : vector<16xi32>
        %broadcast_in_dim3A_252 = arith.constant 0 : i32
        %broadcast_in_dim3A_253 = vector.broadcast %broadcast_in_dim3A_252 : i32 to vector<16xi32>
        %swap3A_254 = arith.index_cast %add3A_248 : i32 to index
        %swap3A_255 = tpu.vector_load %arg6[%swap3A_254] {strides = array<i32>} : memref<16384xi32, #tpu.memory_space<vmem>>, vector<16xi32>,
        tpu.vector_store %arg6[%swap3A_254], %broadcast_in_dim3A_253 {strides = array<i32>} : memref<16384xi32, #tpu.memory_space<vmem>>, vector<16xi32>,
        %add3A_256 = arith.constant 15360 : i32
        %add3A_257 = arith.addi %add3A_256, %mul3A_125 : i32
        %get3A_258 = arith.index_cast %add3A_257 : i32 to index
        %get3A_259 = tpu.vector_load %arg6[%get3A_258] {strides = array<i32>} : memref<16384xi32, #tpu.memory_space<vmem>>, vector<16xi32>,
        %add3A_260 = arith.addi %add3A_251, %get3A_259 : vector<16xi32>
        %broadcast_in_dim3A_261 = arith.constant 0 : i32
        %broadcast_in_dim3A_262 = vector.broadcast %broadcast_in_dim3A_261 : i32 to vector<16xi32>
        %swap3A_263 = arith.index_cast %add3A_257 : i32 to index
        %swap3A_264 = tpu.vector_load %arg6[%swap3A_263] {strides = array<i32>} : memref<16384xi32, #tpu.memory_space<vmem>>, vector<16xi32>,
        tpu.vector_store %arg6[%swap3A_263], %broadcast_in_dim3A_262 {strides = array<i32>} : memref<16384xi32, #tpu.memory_space<vmem>>, vector<16xi32>,
        %rev3A = arith.constant 15 : i32
        %rev3A_265 = vector.broadcast %rev3A : i32 to vector<16xi32>
        %rev3A_266 = tpu.iota {dimensions = array<i32: 0>} : vector<16xi32>
        %rev3A_267 = arith.subi %rev3A_265, %rev3A_266 : vector<16xi32>
        %rev3A_268 = tpu.dynamic_gather %add3A_260[%rev3A_267] in [0] : vector<16xi32>, vector<16xi32> -> vector<16xi32>
        %cumsum3A = arith.constant true
        %cumsum3A_269 = vector.broadcast %cumsum3A : i1 to vector<16xi1>
        %cumsum3A_270 = tpu.scan <sum>, %rev3A_268 masked %cumsum3A_269 : vector<16xi32>, vector<16xi1> -> vector<16xi32>
        %add3A_271 = vector.broadcast %scan3A_120 : i32 to vector<16xi32>
        %add3A_272 = arith.addi %add3A_271, %cumsum3A_270 : vector<16xi32>
        %sub3A_273 = arith.subi %add3A_272, %rev3A_268 : vector<16xi32>
        %lt3A_274 = arith.constant 64 : i32
        %lt3A_275 = vector.broadcast %lt3A_274 : i32 to vector<16xi32>
        %lt3A_276 = arith.cmpi slt, %sub3A_273, %lt3A_275 : vector<16xi32>
        %ge3A = arith.constant 64 : i32
        %ge3A_277 = vector.broadcast %ge3A : i32 to vector<16xi32>
        %ge3A_278 = arith.cmpi sge, %add3A_272, %ge3A_277 : vector<16xi32>
        %and3A_279 = arith.andi %lt3A_276, %ge3A_278 : vector<16xi1>
        %add3A_280 = arith.constant 15 : i32
        %add3A_281 = arith.addi %mul3A_125, %add3A_280 : i32
        %broadcast_in_dim3A_282 = vector.broadcast %add3A_281 : i32 to vector<16xi32>
        %sub3A_283 = arith.subi %broadcast_in_dim3A_282, %iota3A : vector<16xi32>
        %select_n3A_284 = arith.select %and3A_279, %sub3A_283, %scan3A_121 : vector<16xi1>, vector<16xi32>
        %reduce_sum3A = arith.constant true
        %reduce_sum3A_285 = vector.broadcast %reduce_sum3A : i1 to vector<16xi1>
        %reduce_sum3A_286 = tpu.scan <sum>, %add3A_260 masked %reduce_sum3A_285 : vector<16xi32>, vector<16xi1> -> vector<16xi32>
        %reduce_sum3A_287 = vector.extract %reduce_sum3A_286[15] : i32 from vector<16xi32>
        %add3A_288 = arith.addi %scan3A_120, %reduce_sum3A_287 : i32
        scf.yield %add3A_288, %select_n3A_284 : i32, vector<16xi32>
      }
      %scan3A_48 = arith.constant 64 : i32
      %reduce_max3A = arith.constant true
      %reduce_max3A_49 = vector.broadcast %reduce_max3A : i1 to vector<16xi1>
      %reduce_max3A_50 = arith.constant -2147483648 : i32
      %reduce_max3A_51 = vector.broadcast %reduce_max3A_50 : i32 to vector<16xi32>
      %reduce_max3A_52 = arith.xori %scan3A_47#1, %reduce_max3A_51 : vector<16xi32>
      %reduce_max3A_53 = tpu.scan <max>, %reduce_max3A_52 masked %reduce_max3A_49 : vector<16xi32>, vector<16xi1> -> vector<16xi32>
      %reduce_max3A_54 = arith.xori %reduce_max3A_53, %reduce_max3A_51 : vector<16xi32>
      %reduce_max3A_55 = vector.extract %reduce_max3A_54[15] : i32 from vector<16xi32>
      %shift_left3A_56 = arith.constant 22 : i32
      %shift_left3A_57 = arith.shli %reduce_max3A_55, %shift_left3A_56 : i32
      %lt3A = arith.constant 0 : i32
      %lt3A_58 = arith.cmpi slt, %shift_left3A_57, %lt3A : i32
      %xor3A = arith.constant -2147483648 : i32
      %xor3A_59 = arith.xori %shift_left3A_57, %xor3A : i32
      %not3A = arith.constant -1 : i32
      %not3A_60 = arith.xori %shift_left3A_57, %not3A : i32
      %select_n3A = arith.select %lt3A_58, %xor3A_59, %not3A_60 : i32
      %broadcast_in_dim3A_61 = vector.broadcast %select_n3A : i32 to vector<16xi32>
      %bitcast3A = vector.bitcast %broadcast_in_dim3A_61 : vector<16xi32> to vector<16xf32>
      %reduce_max3A_62 = arith.constant true
      %reduce_max3A_63 = vector.broadcast %reduce_max3A_62 : i1 to vector<16xi1>
      %reduce_max3A_64 = tpu.scan <max>, %bitcast3A masked %reduce_max3A_63 : vector<16xf32>, vector<16xi1> -> vector<16xf32>
      %reduce_max3A_65 = vector.extract %reduce_max3A_64[15] : f32 from vector<16xf32>
      %scan3A_66 = arith.constant 0 : i32
      %scan3A_67 = arith.constant 0 : i32
      %scan3A_68 = arith.constant 65 : i32
      %scan3A_69 = arith.addi %scan3A_67, %scan3A_68 : i32
      %scan3A_70 = arith.constant 1 : i32
      %scan3A_71 = scf.for %scan3A_119 = %scan3A_67 to %scan3A_69 step %scan3A_70 iter_args(%scan3A_120 = %scan3A_66) -> (i32)  : i32 {
        %broadcast_in_dim3A_121 = arith.constant 0xFF800000 : f32
        %broadcast_in_dim3A_122 = vector.broadcast %broadcast_in_dim3A_121 : f32 to vector<16xf32>
        %mul3A_123 = arith.constant 16 : i32
        %mul3A_124 = arith.muli %scan3A_119, %mul3A_123 : i32
        %swap3A = arith.index_cast %mul3A_124 : i32 to index
        %swap3A_125 = tpu.vector_load %arg7[%swap3A] {strides = array<i32>} : memref<1040xf32, #tpu.memory_space<vmem>>, vector<16xf32>,
        tpu.vector_store %arg7[%swap3A], %broadcast_in_dim3A_122 {strides = array<i32>} : memref<1040xf32, #tpu.memory_space<vmem>>, vector<16xf32>,
        %scan3A_126 = arith.constant 0 : i32
        scf.yield %scan3A_126 : i32
      }
      %scan3A_72 = arith.constant 65 : i32
      %scan3A_73 = arith.constant 0 : i32
      %scan3A_74 = arith.constant 0 : i32
      %scan3A_75 = arith.constant 41 : i32
      %scan3A_76 = arith.addi %scan3A_74, %scan3A_75 : i32
      %scan3A_77 = arith.constant 1 : i32
      %scan3A_78 = scf.for %scan3A_119 = %scan3A_74 to %scan3A_76 step %scan3A_77 iter_args(%scan3A_120 = %scan3A_73) -> (i32)  : i32 {
        %mul3A_121 = arith.constant 16 : i32
        %mul3A_122 = arith.muli %scan3A_119, %mul3A_121 : i32
        %broadcast_in_dim3A_123 = vector.broadcast %mul3A_122 : i32 to vector<16xi32>
        %add3A_124 = arith.addi %broadcast_in_dim3A_123, %iota3A : vector<16xi32>
        %mul3A_125 = arith.constant 16 : i32
        %mul3A_126 = arith.muli %scan3A_119, %mul3A_125 : i32
        %get3A = arith.index_cast %mul3A_126 : i32 to index
        %get3A_127 = tpu.vector_load %arg11[%get3A] {strides = array<i32>} : memref<656xf32, #tpu.memory_space<vmem>>, vector<16xf32>,
        %ge3A = vector.broadcast %reduce_max3A_65 : f32 to vector<16xf32>
        %ge3A_128 = arith.cmpf oge, %get3A_127, %ge3A : vector<16xf32>
        %swap3A = arith.index_cast %scan3A_120 : i32 to index
        %swap3A_129 = tpu.vector_load %arg12[%swap3A] masked %ge3A_128 {strides = array<i32>} : memref<672xi32, #tpu.memory_space<vmem>>, vector<16xi32>, vector<16xi1>
        tpu.vector_store %arg12[%swap3A], %add3A_124 masked %ge3A_128 {strides = array<i32>} : memref<672xi32, #tpu.memory_space<vmem>>, vector<16xi32>, vector<16xi1>
        %all_reduce_population_count3A = tpu.all_reduce %ge3A_128 {dim = 0 : i64, kind = #tpu.reduction_kind<sum>} : vector<16xi1> -> vector<16xi32>
        %reduce_max3A_130 = arith.constant true
        %reduce_max3A_131 = vector.broadcast %reduce_max3A_130 : i1 to vector<16xi1>
        %reduce_max3A_132 = arith.constant -2147483648 : i32
        %reduce_max3A_133 = vector.broadcast %reduce_max3A_132 : i32 to vector<16xi32>
        %reduce_max3A_134 = arith.xori %all_reduce_population_count3A, %reduce_max3A_133 : vector<16xi32>
        %reduce_max3A_135 = tpu.scan <max>, %reduce_max3A_134 masked %reduce_max3A_131 : vector<16xi32>, vector<16xi1> -> vector<16xi32>
        %reduce_max3A_136 = arith.xori %reduce_max3A_135, %reduce_max3A_133 : vector<16xi32>
        %reduce_max3A_137 = vector.extract %reduce_max3A_136[15] : i32 from vector<16xi32>
        %add3A_138 = arith.addi %scan3A_120, %reduce_max3A_137 : i32
        scf.yield %add3A_138 : i32
      }
      %scan3A_79 = arith.constant 41 : i32
      %while3A = arith.constant 0 : i32
      %while3A_80 = arith.constant 0 : i32
      %while3A_81 = arith.subi %scan3A_78, %while3A : i32
      %while3A_82 = arith.addi %while3A, %while3A_81 : i32
      %while3A_83 = arith.constant 1 : i32
      %while3A_84 = arith.divsi %while3A_81, %while3A_83 : i32
      %while3A_85 = arith.muli %while3A_84, %while3A_83 : i32
      %while3A_86 = arith.addi %while3A, %while3A_85 : i32
      %while3A_87 = arith.constant 1 : i32
      %while3A_88 = scf.for %while3A_119 = %while3A to %while3A_86 step %while3A_87 iter_args(%while3A_120 = %while3A_80) -> (i32)  : i32 {
        %broadcast_in_dim3A_121 = vector.broadcast %while3A_119 : i32 to vector<16xi32>
        %gather3A = tpu.vector_load_idx %arg12[%broadcast_in_dim3A_121] : memref<672xi32, #tpu.memory_space<vmem>>[vector<16xi32>], vector<16xi32>,
        %reduce_max3A_122 = arith.constant true
        %reduce_max3A_123 = vector.broadcast %reduce_max3A_122 : i1 to vector<16xi1>
        %reduce_max3A_124 = arith.constant -2147483648 : i32
        %reduce_max3A_125 = vector.broadcast %reduce_max3A_124 : i32 to vector<16xi32>
        %reduce_max3A_126 = arith.xori %gather3A, %reduce_max3A_125 : vector<16xi32>
        %reduce_max3A_127 = tpu.scan <max>, %reduce_max3A_126 masked %reduce_max3A_123 : vector<16xi32>, vector<16xi1> -> vector<16xi32>
        %reduce_max3A_128 = arith.xori %reduce_max3A_127, %reduce_max3A_125 : vector<16xi32>
        %reduce_max3A_129 = vector.extract %reduce_max3A_128[15] : i32 from vector<16xi32>
        %scan3A_130 = arith.constant 0 : i32
        %scan3A_131 = arith.constant 10 : i32
        %scan3A_132 = arith.addi %scan3A_130, %scan3A_131 : i32
        %scan3A_133 = arith.constant 1 : i32
        %scan3A_134 = scf.for %scan3A_136 = %scan3A_130 to %scan3A_132 step %scan3A_133 iter_args(%scan3A_137 = %while3A_120) -> (i32)  : i32 {
          %mul3A_138 = arith.constant 10 : i32
          %mul3A_139 = arith.muli %reduce_max3A_129, %mul3A_138 : i32
          %add3A_140 = arith.addi %mul3A_139, %scan3A_136 : i32
          %mul3A_141 = arith.constant 16 : i32
          %mul3A_142 = arith.muli %add3A_140, %mul3A_141 : i32
          %get3A = arith.index_cast %mul3A_142 : i32 to index
          %get3A_143 = tpu.vector_load %arg5[%get3A] {strides = array<i32>} : memref<100000xf32, #tpu.memory_space<vmem>>, vector<16xf32>,
          %ge3A = vector.broadcast %reduce_max3A_65 : f32 to vector<16xf32>
          %ge3A_144 = arith.cmpf oge, %get3A_143, %ge3A : vector<16xf32>
          %le3A = arith.constant 1008 : i32
          %le3A_145 = arith.cmpi sle, %scan3A_137, %le3A : i32
          %broadcast_in_dim3A_146 = vector.broadcast %le3A_145 : i1 to vector<16xi1>
          %and3A_147 = arith.andi %ge3A_144, %broadcast_in_dim3A_146 : vector<16xi1>
          %swap3A = arith.index_cast %scan3A_137 : i32 to index
          %swap3A_148 = tpu.vector_load %arg7[%swap3A] masked %and3A_147 {strides = array<i32>} : memref<1040xf32, #tpu.memory_space<vmem>>, vector<16xf32>, vector<16xi1>
          tpu.vector_store %arg7[%swap3A], %get3A_143 masked %and3A_147 {strides = array<i32>} : memref<1040xf32, #tpu.memory_space<vmem>>, vector<16xf32>, vector<16xi1>
          %mul3A_149 = arith.constant 16 : i32
          %mul3A_150 = arith.muli %add3A_140, %mul3A_149 : i32
          %broadcast_in_dim3A_151 = vector.broadcast %mul3A_150 : i32 to vector<16xi32>
          %add3A_152 = arith.addi %broadcast_in_dim3A_151, %iota3A : vector<16xi32>
          %swap3A_153 = arith.index_cast %scan3A_137 : i32 to index
          %swap3A_154 = tpu.vector_load %arg8[%swap3A_153] masked %and3A_147 {strides = array<i32>} : memref<1040xi32, #tpu.memory_space<vmem>>, vector<16xi32>, vector<16xi1>
          tpu.vector_store %arg8[%swap3A_153], %add3A_152 masked %and3A_147 {strides = array<i32>} : memref<1040xi32, #tpu.memory_space<vmem>>, vector<16xi32>, vector<16xi1>
          %all_reduce_population_count3A = tpu.all_reduce %and3A_147 {dim = 0 : i64, kind = #tpu.reduction_kind<sum>} : vector<16xi1> -> vector<16xi32>
          %reduce_max3A_155 = arith.constant true
          %reduce_max3A_156 = vector.broadcast %reduce_max3A_155 : i1 to vector<16xi1>
          %reduce_max3A_157 = arith.constant -2147483648 : i32
          %reduce_max3A_158 = vector.broadcast %reduce_max3A_157 : i32 to vector<16xi32>
          %reduce_max3A_159 = arith.xori %all_reduce_population_count3A, %reduce_max3A_158 : vector<16xi32>
          %reduce_max3A_160 = tpu.scan <max>, %reduce_max3A_159 masked %reduce_max3A_156 : vector<16xi32>, vector<16xi1> -> vector<16xi32>
          %reduce_max3A_161 = arith.xori %reduce_max3A_160, %reduce_max3A_158 : vector<16xi32>
          %reduce_max3A_162 = vector.extract %reduce_max3A_161[15] : i32 from vector<16xi32>
          %add3A_163 = arith.addi %scan3A_137, %reduce_max3A_162 : i32
          scf.yield %add3A_163 : i32
        }
        %scan3A_135 = arith.constant 10 : i32
        scf.yield %scan3A_134 : i32
      }
      %while3A_89 = arith.constant 1 : i32
      %while3A_90 = scf.for %while3A_119 = %while3A_86 to %while3A_82 step %while3A_89 iter_args(%while3A_120 = %while3A_88) -> (i32)  : i32 {
        %broadcast_in_dim3A_121 = vector.broadcast %while3A_119 : i32 to vector<16xi32>
        %gather3A = tpu.vector_load_idx %arg12[%broadcast_in_dim3A_121] : memref<672xi32, #tpu.memory_space<vmem>>[vector<16xi32>], vector<16xi32>,
        %reduce_max3A_122 = arith.constant true
        %reduce_max3A_123 = vector.broadcast %reduce_max3A_122 : i1 to vector<16xi1>
        %reduce_max3A_124 = arith.constant -2147483648 : i32
        %reduce_max3A_125 = vector.broadcast %reduce_max3A_124 : i32 to vector<16xi32>
        %reduce_max3A_126 = arith.xori %gather3A, %reduce_max3A_125 : vector<16xi32>
        %reduce_max3A_127 = tpu.scan <max>, %reduce_max3A_126 masked %reduce_max3A_123 : vector<16xi32>, vector<16xi1> -> vector<16xi32>
        %reduce_max3A_128 = arith.xori %reduce_max3A_127, %reduce_max3A_125 : vector<16xi32>
        %reduce_max3A_129 = vector.extract %reduce_max3A_128[15] : i32 from vector<16xi32>
        %scan3A_130 = arith.constant 0 : i32
        %scan3A_131 = arith.constant 10 : i32
        %scan3A_132 = arith.addi %scan3A_130, %scan3A_131 : i32
        %scan3A_133 = arith.constant 1 : i32
        %scan3A_134 = scf.for %scan3A_136 = %scan3A_130 to %scan3A_132 step %scan3A_133 iter_args(%scan3A_137 = %while3A_120) -> (i32)  : i32 {
          %mul3A_138 = arith.constant 10 : i32
          %mul3A_139 = arith.muli %reduce_max3A_129, %mul3A_138 : i32
          %add3A_140 = arith.addi %mul3A_139, %scan3A_136 : i32
          %mul3A_141 = arith.constant 16 : i32
          %mul3A_142 = arith.muli %add3A_140, %mul3A_141 : i32
          %get3A = arith.index_cast %mul3A_142 : i32 to index
          %get3A_143 = tpu.vector_load %arg5[%get3A] {strides = array<i32>} : memref<100000xf32, #tpu.memory_space<vmem>>, vector<16xf32>,
          %ge3A = vector.broadcast %reduce_max3A_65 : f32 to vector<16xf32>
          %ge3A_144 = arith.cmpf oge, %get3A_143, %ge3A : vector<16xf32>
          %le3A = arith.constant 1008 : i32
          %le3A_145 = arith.cmpi sle, %scan3A_137, %le3A : i32
          %broadcast_in_dim3A_146 = vector.broadcast %le3A_145 : i1 to vector<16xi1>
          %and3A_147 = arith.andi %ge3A_144, %broadcast_in_dim3A_146 : vector<16xi1>
          %swap3A = arith.index_cast %scan3A_137 : i32 to index
          %swap3A_148 = tpu.vector_load %arg7[%swap3A] masked %and3A_147 {strides = array<i32>} : memref<1040xf32, #tpu.memory_space<vmem>>, vector<16xf32>, vector<16xi1>
          tpu.vector_store %arg7[%swap3A], %get3A_143 masked %and3A_147 {strides = array<i32>} : memref<1040xf32, #tpu.memory_space<vmem>>, vector<16xf32>, vector<16xi1>
          %mul3A_149 = arith.constant 16 : i32
          %mul3A_150 = arith.muli %add3A_140, %mul3A_149 : i32
          %broadcast_in_dim3A_151 = vector.broadcast %mul3A_150 : i32 to vector<16xi32>
          %add3A_152 = arith.addi %broadcast_in_dim3A_151, %iota3A : vector<16xi32>
          %swap3A_153 = arith.index_cast %scan3A_137 : i32 to index
          %swap3A_154 = tpu.vector_load %arg8[%swap3A_153] masked %and3A_147 {strides = array<i32>} : memref<1040xi32, #tpu.memory_space<vmem>>, vector<16xi32>, vector<16xi1>
          tpu.vector_store %arg8[%swap3A_153], %add3A_152 masked %and3A_147 {strides = array<i32>} : memref<1040xi32, #tpu.memory_space<vmem>>, vector<16xi32>, vector<16xi1>
          %all_reduce_population_count3A = tpu.all_reduce %and3A_147 {dim = 0 : i64, kind = #tpu.reduction_kind<sum>} : vector<16xi1> -> vector<16xi32>
          %reduce_max3A_155 = arith.constant true
          %reduce_max3A_156 = vector.broadcast %reduce_max3A_155 : i1 to vector<16xi1>
          %reduce_max3A_157 = arith.constant -2147483648 : i32
          %reduce_max3A_158 = vector.broadcast %reduce_max3A_157 : i32 to vector<16xi32>
          %reduce_max3A_159 = arith.xori %all_reduce_population_count3A, %reduce_max3A_158 : vector<16xi32>
          %reduce_max3A_160 = tpu.scan <max>, %reduce_max3A_159 masked %reduce_max3A_156 : vector<16xi32>, vector<16xi1> -> vector<16xi32>
          %reduce_max3A_161 = arith.xori %reduce_max3A_160, %reduce_max3A_158 : vector<16xi32>
          %reduce_max3A_162 = vector.extract %reduce_max3A_161[15] : i32 from vector<16xi32>
          %add3A_163 = arith.addi %scan3A_137, %reduce_max3A_162 : i32
          scf.yield %add3A_163 : i32
        }
        %scan3A_135 = arith.constant 10 : i32
        scf.yield %scan3A_134 : i32
      }
      %add3A_91 = arith.constant 15 : i32
      %add3A_92 = arith.addi %while3A_90, %add3A_91 : i32
      %jit3A = arith.constant 16 : i32
      %div3A = arith.divsi %add3A_92, %jit3A : i32
      %sign3A = arith.constant 0 : i32
      %sign3A_93 = arith.cmpi sgt, %add3A_92, %sign3A : i32
      %sign3A_94 = arith.extui %sign3A_93 : i1 to i32
      %sign3A_95 = arith.constant 0 : i32
      %sign3A_96 = arith.cmpi slt, %add3A_92, %sign3A_95 : i32
      %sign3A_97 = arith.extui %sign3A_96 : i1 to i32
      %sign3A_98 = arith.subi %sign3A_94, %sign3A_97 : i32
      %sign3A_99 = arith.constant 0 : i32
      %sign3A_100 = arith.cmpi sgt, %jit3A, %sign3A_99 : i32
      %sign3A_101 = arith.extui %sign3A_100 : i1 to i32
      %sign3A_102 = arith.constant 0 : i32
      %sign3A_103 = arith.cmpi slt, %jit3A, %sign3A_102 : i32
      %sign3A_104 = arith.extui %sign3A_103 : i1 to i32
      %sign3A_105 = arith.subi %sign3A_101, %sign3A_104 : i32
      %ne3A = arith.cmpi ne, %sign3A_98, %sign3A_105 : i32
      %rem3A = arith.remsi %add3A_92, %jit3A : i32
      %ne3A_106 = arith.constant 0 : i32
      %ne3A_107 = arith.cmpi ne, %rem3A, %ne3A_106 : i32
      %and3A = arith.andi %ne3A, %ne3A_107 : i1
      %sub3A = arith.constant 1 : i32
      %sub3A_108 = arith.subi %div3A, %sub3A : i32
      %select_n3A_109 = arith.select %and3A, %sub3A_108, %div3A : i32
      %scan3A_110 = arith.constant 0x7F800000 : f32
      %scan3A_111 = arith.constant -1 : i32
      %scan3A_112 = arith.constant 0 : i32
      %scan3A_113 = arith.constant 64 : i32
      %scan3A_114 = arith.addi %scan3A_112, %scan3A_113 : i32
      %scan3A_115 = arith.constant 1 : i32
      %scan3A_116:2 = scf.for %scan3A_119 = %scan3A_112 to %scan3A_114 step %scan3A_115 iter_args(%scan3A_120 = %scan3A_110, %scan3A_121 = %scan3A_111) -> (f32, i32)  : i32 {
        %broadcast_in_dim3A_122 = arith.constant 0xFF800000 : f32
        %broadcast_in_dim3A_123 = vector.broadcast %broadcast_in_dim3A_122 : f32 to vector<16xf32>
        %broadcast_in_dim3A_124 = arith.constant 2147483647 : i32
        %broadcast_in_dim3A_125 = vector.broadcast %broadcast_in_dim3A_124 : i32 to vector<16xi32>
        %while3A_126 = arith.constant 0 : i32
        %while3A_127 = arith.subi %select_n3A_109, %while3A_126 : i32
        %while3A_128 = arith.addi %while3A_126, %while3A_127 : i32
        %while3A_129 = arith.constant 1 : i32
        %while3A_130 = arith.divsi %while3A_127, %while3A_129 : i32
        %while3A_131 = arith.muli %while3A_130, %while3A_129 : i32
        %while3A_132 = arith.addi %while3A_126, %while3A_131 : i32
        %while3A_133 = arith.constant 1 : i32
        %while3A_134:2 = scf.for %while3A_160 = %while3A_126 to %while3A_132 step %while3A_133 iter_args(%while3A_161 = %broadcast_in_dim3A_123, %while3A_162 = %broadcast_in_dim3A_125) -> (vector<16xf32>, vector<16xi32>)  : i32 {
          %mul3A_163 = arith.constant 16 : i32
          %mul3A_164 = arith.muli %while3A_160, %mul3A_163 : i32
          %get3A = arith.index_cast %mul3A_164 : i32 to index
          %get3A_165 = tpu.vector_load %arg7[%get3A] {strides = array<i32>} : memref<1040xf32, #tpu.memory_space<vmem>>, vector<16xf32>,
          %mul3A_166 = arith.constant 16 : i32
          %mul3A_167 = arith.muli %while3A_160, %mul3A_166 : i32
          %get3A_168 = arith.index_cast %mul3A_167 : i32 to index
          %get3A_169 = tpu.vector_load %arg8[%get3A_168] {strides = array<i32>} : memref<1040xi32, #tpu.memory_space<vmem>>, vector<16xi32>,
          %lt3A_170 = vector.broadcast %scan3A_120 : f32 to vector<16xf32>
          %lt3A_171 = arith.cmpf olt, %get3A_165, %lt3A_170 : vector<16xf32>
          %eq3A_172 = vector.broadcast %scan3A_120 : f32 to vector<16xf32>
          %eq3A_173 = arith.cmpf oeq, %get3A_165, %eq3A_172 : vector<16xf32>
          %gt3A = vector.broadcast %scan3A_121 : i32 to vector<16xi32>
          %gt3A_174 = arith.cmpi sgt, %get3A_169, %gt3A : vector<16xi32>
          %and3A_175 = arith.andi %eq3A_173, %gt3A_174 : vector<16xi1>
          %or3A = arith.ori %lt3A_171, %and3A_175 : vector<16xi1>
          %jit3A_176 = arith.constant 0xFF800000 : f32
          %broadcast_in_dim3A_177 = vector.broadcast %jit3A_176 : f32 to vector<16xf32>
          %select_n3A_178 = arith.select %or3A, %get3A_165, %broadcast_in_dim3A_177 : vector<16xi1>, vector<16xf32>
          %jit3A_179 = arith.constant 2147483647 : i32
          %broadcast_in_dim3A_180 = vector.broadcast %jit3A_179 : i32 to vector<16xi32>
          %select_n3A_181 = arith.select %or3A, %get3A_169, %broadcast_in_dim3A_180 : vector<16xi1>, vector<16xi32>
          %gt3A_182 = arith.cmpf ogt, %select_n3A_178, %while3A_161 : vector<16xf32>
          %eq3A_183 = arith.cmpf oeq, %select_n3A_178, %while3A_161 : vector<16xf32>
          %lt3A_184 = arith.cmpi slt, %select_n3A_181, %while3A_162 : vector<16xi32>
          %and3A_185 = arith.andi %eq3A_183, %lt3A_184 : vector<16xi1>
          %or3A_186 = arith.ori %gt3A_182, %and3A_185 : vector<16xi1>
          %select_n3A_187 = arith.select %or3A_186, %select_n3A_178, %while3A_161 : vector<16xi1>, vector<16xf32>
          %select_n3A_188 = arith.select %or3A_186, %select_n3A_181, %while3A_162 : vector<16xi1>, vector<16xi32>
          scf.yield %select_n3A_187, %select_n3A_188 : vector<16xf32>, vector<16xi32>
        }
        %while3A_135 = arith.constant 1 : i32
        %while3A_136:2 = scf.for %while3A_160 = %while3A_132 to %while3A_128 step %while3A_135 iter_args(%while3A_161 = %while3A_134#0, %while3A_162 = %while3A_134#1) -> (vector<16xf32>, vector<16xi32>)  : i32 {
          %mul3A_163 = arith.constant 16 : i32
          %mul3A_164 = arith.muli %while3A_160, %mul3A_163 : i32
          %get3A = arith.index_cast %mul3A_164 : i32 to index
          %get3A_165 = tpu.vector_load %arg7[%get3A] {strides = array<i32>} : memref<1040xf32, #tpu.memory_space<vmem>>, vector<16xf32>,
          %mul3A_166 = arith.constant 16 : i32
          %mul3A_167 = arith.muli %while3A_160, %mul3A_166 : i32
          %get3A_168 = arith.index_cast %mul3A_167 : i32 to index
          %get3A_169 = tpu.vector_load %arg8[%get3A_168] {strides = array<i32>} : memref<1040xi32, #tpu.memory_space<vmem>>, vector<16xi32>,
          %lt3A_170 = vector.broadcast %scan3A_120 : f32 to vector<16xf32>
          %lt3A_171 = arith.cmpf olt, %get3A_165, %lt3A_170 : vector<16xf32>
          %eq3A_172 = vector.broadcast %scan3A_120 : f32 to vector<16xf32>
          %eq3A_173 = arith.cmpf oeq, %get3A_165, %eq3A_172 : vector<16xf32>
          %gt3A = vector.broadcast %scan3A_121 : i32 to vector<16xi32>
          %gt3A_174 = arith.cmpi sgt, %get3A_169, %gt3A : vector<16xi32>
          %and3A_175 = arith.andi %eq3A_173, %gt3A_174 : vector<16xi1>
          %or3A = arith.ori %lt3A_171, %and3A_175 : vector<16xi1>
          %jit3A_176 = arith.constant 0xFF800000 : f32
          %broadcast_in_dim3A_177 = vector.broadcast %jit3A_176 : f32 to vector<16xf32>
          %select_n3A_178 = arith.select %or3A, %get3A_165, %broadcast_in_dim3A_177 : vector<16xi1>, vector<16xf32>
          %jit3A_179 = arith.constant 2147483647 : i32
          %broadcast_in_dim3A_180 = vector.broadcast %jit3A_179 : i32 to vector<16xi32>
          %select_n3A_181 = arith.select %or3A, %get3A_169, %broadcast_in_dim3A_180 : vector<16xi1>, vector<16xi32>
          %gt3A_182 = arith.cmpf ogt, %select_n3A_178, %while3A_161 : vector<16xf32>
          %eq3A_183 = arith.cmpf oeq, %select_n3A_178, %while3A_161 : vector<16xf32>
          %lt3A_184 = arith.cmpi slt, %select_n3A_181, %while3A_162 : vector<16xi32>
          %and3A_185 = arith.andi %eq3A_183, %lt3A_184 : vector<16xi1>
          %or3A_186 = arith.ori %gt3A_182, %and3A_185 : vector<16xi1>
          %select_n3A_187 = arith.select %or3A_186, %select_n3A_178, %while3A_161 : vector<16xi1>, vector<16xf32>
          %select_n3A_188 = arith.select %or3A_186, %select_n3A_181, %while3A_162 : vector<16xi1>, vector<16xi32>
          scf.yield %select_n3A_187, %select_n3A_188 : vector<16xf32>, vector<16xi32>
        }
        %reduce_max3A_137 = arith.constant true
        %reduce_max3A_138 = vector.broadcast %reduce_max3A_137 : i1 to vector<16xi1>
        %reduce_max3A_139 = tpu.scan <max>, %while3A_136#0 masked %reduce_max3A_138 : vector<16xf32>, vector<16xi1> -> vector<16xf32>
        %reduce_max3A_140 = vector.extract %reduce_max3A_139[15] : f32 from vector<16xf32>
        %eq3A_141 = vector.broadcast %reduce_max3A_140 : f32 to vector<16xf32>
        %eq3A_142 = arith.cmpf oeq, %while3A_136#0, %eq3A_141 : vector<16xf32>
        %jit3A_143 = arith.constant 2147483647 : i32
        %broadcast_in_dim3A_144 = vector.broadcast %jit3A_143 : i32 to vector<16xi32>
        %select_n3A_145 = arith.select %eq3A_142, %while3A_136#1, %broadcast_in_dim3A_144 : vector<16xi1>, vector<16xi32>
        %reduce_min3A = arith.constant true
        %reduce_min3A_146 = vector.broadcast %reduce_min3A : i1 to vector<16xi1>
        %reduce_min3A_147 = arith.constant -2147483648 : i32
        %reduce_min3A_148 = vector.broadcast %reduce_min3A_147 : i32 to vector<16xi32>
        %reduce_min3A_149 = arith.xori %select_n3A_145, %reduce_min3A_148 : vector<16xi32>
        %reduce_min3A_150 = tpu.scan <min>, %reduce_min3A_149 masked %reduce_min3A_146 : vector<16xi32>, vector<16xi1> -> vector<16xi32>
        %reduce_min3A_151 = arith.xori %reduce_min3A_150, %reduce_min3A_148 : vector<16xi32>
        %reduce_min3A_152 = vector.extract %reduce_min3A_151[15] : i32 from vector<16xi32>
        %eq3A_153 = arith.constant 0 : i32
        %eq3A_154 = vector.broadcast %eq3A_153 : i32 to vector<16xi32>
        %eq3A_155 = arith.cmpi eq, %iota3A, %eq3A_154 : vector<16xi32>
        %broadcast_in_dim3A_156 = vector.broadcast %scan3A_119 : i32 to vector<16xi32>
        %broadcast_in_dim3A_157 = vector.broadcast %reduce_max3A_140 : f32 to vector<16xf32>
        tpu.vector_store_idx %arg9[%broadcast_in_dim3A_156], %broadcast_in_dim3A_157 masked %eq3A_155 : memref<64xf32, #tpu.memory_space<vmem>>[vector<16xi32>], vector<16xf32>, vector<16xi1>
        %broadcast_in_dim3A_158 = vector.broadcast %scan3A_119 : i32 to vector<16xi32>
        %broadcast_in_dim3A_159 = vector.broadcast %reduce_min3A_152 : i32 to vector<16xi32>
        tpu.vector_store_idx %arg10[%broadcast_in_dim3A_158], %broadcast_in_dim3A_159 masked %eq3A_155 : memref<64xi32, #tpu.memory_space<vmem>>[vector<16xi32>], vector<16xi32>, vector<16xi1>
        scf.yield %reduce_max3A_140, %reduce_min3A_152 : f32, i32
      }
      %scan3A_117 = arith.constant 64 : i32
      "tpu.region"() ({
        %run_scoped3A = tpu.sem_alloc : memref<!tpu.dma_semaphore, #tpu.memory_space<semaphore_mem>>
        %dma_start3A = arith.constant 0 : i32
        %dma_start3A_119 = tpu.memref_slice %arg3[%add3A_25, %dma_start3A] : memref<128x64xf32, #tpu.memory_space<hbm>> -> memref<1x64xf32, #tpu.memory_space<hbm>>
        %dma_start3A_120 = tpu.memref_squeeze %dma_start3A_119 : memref<1x64xf32, #tpu.memory_space<hbm>> -> memref<64xf32, #tpu.memory_space<hbm>>
        %dma_start3A_121 = arith.constant 0 : i32
        %dma_start3A_122 = tpu.memref_slice %arg3[%add3A_25, %dma_start3A_121] : memref<128x64xf32, #tpu.memory_space<hbm>> -> memref<1x64xf32, #tpu.memory_space<hbm>>
        %dma_start3A_123 = tpu.memref_squeeze %dma_start3A_122 : memref<1x64xf32, #tpu.memory_space<hbm>> -> memref<64xf32, #tpu.memory_space<hbm>>
        tpu.enqueue_dma source(%arg9 : memref<64xf32, #tpu.memory_space<vmem>>) target(%dma_start3A_123 : memref<64xf32, #tpu.memory_space<hbm>>) target_semaphore(%run_scoped3A : memref<!tpu.dma_semaphore, #tpu.memory_space<semaphore_mem>>)
        %dma_wait3A = arith.constant 0 : i32
        %dma_wait3A_124 = tpu.memref_slice %arg3[%add3A_25, %dma_wait3A] : memref<128x64xf32, #tpu.memory_space<hbm>> -> memref<1x64xf32, #tpu.memory_space<hbm>>
        %dma_wait3A_125 = tpu.memref_squeeze %dma_wait3A_124 : memref<1x64xf32, #tpu.memory_space<hbm>> -> memref<64xf32, #tpu.memory_space<hbm>>
        %dma_wait3A_126 = arith.constant 0 : i32
        %dma_wait3A_127 = tpu.memref_slice %arg3[%add3A_25, %dma_wait3A_126] : memref<128x64xf32, #tpu.memory_space<hbm>> -> memref<1x64xf32, #tpu.memory_space<hbm>>
        %dma_wait3A_128 = tpu.memref_squeeze %dma_wait3A_127 : memref<1x64xf32, #tpu.memory_space<hbm>> -> memref<64xf32, #tpu.memory_space<hbm>>
        tpu.wait_dma2 semaphore(%run_scoped3A : memref<!tpu.dma_semaphore, #tpu.memory_space<semaphore_mem>>) src(%arg9 : memref<64xf32, #tpu.memory_space<vmem>>) dst(%dma_wait3A_128 : memref<64xf32, #tpu.memory_space<hbm>>)
        tpu.yield
      }) : () -> ()
      "tpu.region"() ({
        %run_scoped3A = tpu.sem_alloc : memref<!tpu.dma_semaphore, #tpu.memory_space<semaphore_mem>>
        %dma_start3A = arith.constant 0 : i32
        %dma_start3A_119 = tpu.memref_slice %arg4[%add3A_25, %dma_start3A] : memref<128x64xi32, #tpu.memory_space<hbm>> -> memref<1x64xi32, #tpu.memory_space<hbm>>
        %dma_start3A_120 = tpu.memref_squeeze %dma_start3A_119 : memref<1x64xi32, #tpu.memory_space<hbm>> -> memref<64xi32, #tpu.memory_space<hbm>>
        %dma_start3A_121 = arith.constant 0 : i32
        %dma_start3A_122 = tpu.memref_slice %arg4[%add3A_25, %dma_start3A_121] : memref<128x64xi32, #tpu.memory_space<hbm>> -> memref<1x64xi32, #tpu.memory_space<hbm>>
        %dma_start3A_123 = tpu.memref_squeeze %dma_start3A_122 : memref<1x64xi32, #tpu.memory_space<hbm>> -> memref<64xi32, #tpu.memory_space<hbm>>
        tpu.enqueue_dma source(%arg10 : memref<64xi32, #tpu.memory_space<vmem>>) target(%dma_start3A_123 : memref<64xi32, #tpu.memory_space<hbm>>) target_semaphore(%run_scoped3A : memref<!tpu.dma_semaphore, #tpu.memory_space<semaphore_mem>>)
        %dma_wait3A = arith.constant 0 : i32
        %dma_wait3A_124 = tpu.memref_slice %arg4[%add3A_25, %dma_wait3A] : memref<128x64xi32, #tpu.memory_space<hbm>> -> memref<1x64xi32, #tpu.memory_space<hbm>>
        %dma_wait3A_125 = tpu.memref_squeeze %dma_wait3A_124 : memref<1x64xi32, #tpu.memory_space<hbm>> -> memref<64xi32, #tpu.memory_space<hbm>>
        %dma_wait3A_126 = arith.constant 0 : i32
        %dma_wait3A_127 = tpu.memref_slice %arg4[%add3A_25, %dma_wait3A_126] : memref<128x64xi32, #tpu.memory_space<hbm>> -> memref<1x64xi32, #tpu.memory_space<hbm>>
        %dma_wait3A_128 = tpu.memref_squeeze %dma_wait3A_127 : memref<1x64xi32, #tpu.memory_space<hbm>> -> memref<64xi32, #tpu.memory_space<hbm>>
        tpu.wait_dma2 semaphore(%run_scoped3A : memref<!tpu.dma_semaphore, #tpu.memory_space<semaphore_mem>>) src(%arg10 : memref<64xi32, #tpu.memory_space<vmem>>) dst(%dma_wait3A_128 : memref<64xi32, #tpu.memory_space<hbm>>)
        tpu.yield
      }) : () -> ()
      %scan3A_118 = arith.constant 0 : i32
      scf.yield %scan3A_118 : i32
    }
    %scan3A_20 = arith.constant 4 : i32
    return
  }
}

</mosaic_0001>

<sc_bundles>
// kernel: _sc_topk.3.cloned.1.call-start
scs
__scs_entry_jumppad:
0x0: {  	(pc) =	sbr.rel $0x88, $3  }
0x1: {  	(tag) =	ssettag $0x0;
	lr =	simm.s32 $0x1  }
0x2: {  	[smem:$0x3FA0] =	sst lr;
	_ =	strace $0xD0000000  }
0x3: {  	_ = 	snop  }
0x4: {  	_ = 	snop  }
0x5: {  	_ = 	snop  }
0x6: {  	_ = 	snop  }
0x7: {  	_ = 	snop  }
__scs_overlays_trampoline_lowered:
0x8: {  	[smem:$0x3FAF] =	sst s0  }
0x9: {  	[smem:$0x3FB0] =	sst s1  }
0xa: {  	[smem:$0x3FB1] =	sst s2  }
0xb: {  	[smem:$0x3FB2] =	sst s3  }
0xc: {  	[smem:$0x3FB3] =	sst s4  }
0xd: {  	[smem:$0x3FB4] =	sst s5  }
0xe: {  	[smem:$0x3FB5] =	sst s6  }
0xf: {  	[smem:$0x3FB6] =	sst s7  }
0x10: {  	[smem:$0x3FB7] =	sst s8  }
0x11: {  	[smem:$0x3FB8] =	sst s9;
	s0 =	simm.s32 @!p0 $0x0  }
0x12: {  	s1 =	sld [smem:$0x3F9E];
	s0 =	simm.s32 @p0 $0x1  }
0x13: {  	[smem:$0x3FB9] =	sst s0;
	s0 =	simm.s32 @!p1 $0x0  }
0x14: {  	s2 =	sld [smem:$0x3F9D];
	s0 =	simm.s32 @p1 $0x1  }
0x15: {  	[smem:$0x3FBA] =	sst s0;
	s0 =	simm.s32 @!p2 $0x0  }
0x16: {  	s3 =	sld [smem:$0x3FDB];
	s0 =	simm.s32 @p2 $0x1  }
0x17: {  	s4 =	simm.s32 $0x1BF5;
	[smem:$0x3FBC] =	sst s0  }
0x18: {  	s0 =	sld [smem:$0x3F9F];
	_ =	swait.ge [sflag:s4], $0x0  }
0x19: {  	s7 =	sld [smem:$0x3FA0]  }
0x1a: {  	s8 =	sadd.s32 $0xFFFFE003, lr  }
0x1b: {  	s9 =	sadd.s32 $0xFFFFFEF7, lr;
	s5 =	simm.s32 $0xFFFFFFFF;
	p2 =	slt.u32 s8, $0xFFFFF086  }
0x1c: {  	p1 =	slt.u32 s9, $0xF7A;
	s5 =	simm.s32 @!p2 $0x0  }
0x1d: {  	s5 =	simm.s32 @p1 $0x1;
	p0 =	seq.s32 s7, s2  }
0x1e: {  	s7 =	smul.u32 @!p0 $0xF7A, s2;
	p2 =	seq.s32 @!p0 s5, $0x0  }
0x1f: {  	s9 =	smul.u32 $0xF7A, s1;
	s8 =	simm.s32 @!p0 $0x1BF5;
	p2 =	por !p2, p0  }
0x20: {  	[sflag:s8] =	ssyncset.s32 @!p0 $0xFFFFF086;
	s6 =	sadd.s32 @!p0 s3, s7;
	s7 =	simm.s32 @!p0 $0x108  }
0x21: {  	s3 =	sadd.s32 s3, s9;
	s6 =	sadd.s32 @!p0 $0x88, s6;
	s7 =	simm.s32 @p2 $0x1082  }
0x22: {  	[simem:s7], [sflag:s8] =	dma.local @!p0 [hbm:s6], $0xF7A  }
0x23: {  	s9 =	sor.u32 $0xD0000000, s2;
	s6 =	simm.s32 $0x108;
	_ =	swait.ge @!p0 [sflag:s8], $0x0  }
0x24: {  	s3 =	sadd.s32 $0x88, s3;
	s6 =	simm.s32 @!p1 $0x1082;
	[sflag:s4] =	ssyncset.s32 $0xFFFFF086  }
0x25: {  	[simem:s6], [sflag:s4] =	dma.local [hbm:s3], $0xF7A  }
0x26: {  	[smem:$0x3FA0] =	sst s1;
	(tag) =	ssettag s2;
	_ =	strace s9  }
0x27: {  	s1 =	sld [smem:$0x3FB0]  }
0x28: {  	s2 =	sld [smem:$0x3FB1]  }
0x29: {  	s4 =	sld [smem:$0x3FB3]  }
0x2a: {  	p0 =	seq.s32 s5, $0x0;
	s5 =	sld [smem:$0x3FB4]  }
0x2b: {  	s6 =	sld [smem:$0x3FB5]  }
0x2c: {  	s7 =	sld [smem:$0x3FB6]  }
0x2d: {  	s3 =	simm.s32 $0x108;
	s8 =	sld [smem:$0x3FB7]  }
0x2e: {  	s3 =	simm.s32 @!p0 $0x1082;
	s9 =	sld [smem:$0x3FB8]  }
0x2f: {  	lr =	sadd.s32 s0, s3;
	s0 =	sld [smem:$0x3FAF]  }
0x30: {  	s3 =	sld [smem:$0x3FB2]  }
0x31: {  	[smem:$0x3FBB] =	sst s10  }
0x32: {  	s10 =	sld [smem:$0x3FB9];
	_ =	sdelay $0x3  }
0x33: {  	p0 =	seq.s32 s10, $0x1;
	s10 =	sld [smem:$0x3FBB];
	_ =	sdelay $0x3  }
0x34: {  	[smem:$0x3FBB] =	sst s10  }
0x35: {  	s10 =	sld [smem:$0x3FBA];
	_ =	sdelay $0x3  }
0x36: {  	p1 =	seq.s32 s10, $0x1;
	s10 =	sld [smem:$0x3FBB];
	_ =	sdelay $0x3  }
0x37: {  	[smem:$0x3FBB] =	sst s10  }
0x38: {  	s10 =	sld [smem:$0x3FBC]  }
0x39: {  	_ = 	snop;
	(pc) =	sbr.ind lr, $3  }
0x3a: {  	_ = 	snop  }
0x3b: {  	_ = 	snop  }
0x3c: {  	p2 =	seq.s32 s10, $0x1;
	s10 =	sld [smem:$0x3FBB]  }
0x3d: {  	_ =	shalt  }
0x3e: {  	_ =	shalt  }
0x3f: {  	_ =	shalt  }
0x40: {  	_ =	shalt  }
0x41: {  	_ =	shalt  }
0x42: {  	_ =	shalt  }
0x43: {  	_ =	shalt  }
0x44: {  	_ =	shalt  }
0x45: {  	_ =	shalt  }
0x46: {  	_ =	shalt  }
0x47: {  	_ =	shalt  }
0x48: {  	_ =	shalt  }
0x49: {  	_ =	shalt  }
0x4a: {  	_ =	shalt  }
0x4b: {  	_ =	shalt  }
0x4c: {  	_ =	shalt  }
0x4d: {  	_ =	shalt  }
0x4e: {  	_ =	shalt  }
0x4f: {  	_ =	shalt  }
0x50: {  	_ =	shalt  }
0x51: {  	_ =	shalt  }
0x52: {  	_ =	shalt  }
0x53: {  	_ =	shalt  }
0x54: {  	_ =	shalt  }
0x55: {  	_ =	shalt  }
0x56: {  	_ =	shalt  }
0x57: {  	_ =	shalt  }
0x58: {  	_ =	shalt  }
0x59: {  	_ =	shalt  }
0x5a: {  	_ =	shalt  }
0x5b: {  	_ =	shalt  }
0x5c: {  	_ =	shalt  }
0x5d: {  	_ =	shalt  }
0x5e: {  	_ =	shalt  }
0x5f: {  	_ =	shalt  }
0x60: {  	_ =	shalt  }
0x61: {  	_ =	shalt  }
0x62: {  	_ =	shalt  }
0x63: {  	_ =	shalt  }
0x64: {  	_ =	shalt  }
0x65: {  	_ =	shalt  }
0x66: {  	_ =	shalt  }
0x67: {  	_ =	shalt  }
0x68: {  	_ =	shalt  }
0x69: {  	_ =	shalt  }
0x6a: {  	_ =	shalt  }
0x6b: {  	_ =	shalt  }
0x6c: {  	_ =	shalt  }
0x6d: {  	_ =	shalt  }
0x6e: {  	_ =	shalt  }
0x6f: {  	_ =	shalt  }
0x70: {  	_ =	shalt  }
0x71: {  	_ =	shalt  }
0x72: {  	_ =	shalt  }
0x73: {  	_ =	shalt  }
0x74: {  	_ =	shalt  }
0x75: {  	_ =	shalt  }
0x76: {  	_ =	shalt  }
0x77: {  	_ =	shalt  }
0x78: {  	_ =	shalt  }
0x79: {  	_ =	shalt  }
0x7a: {  	_ =	shalt  }
0x7b: {  	_ =	shalt  }
0x7c: {  	_ =	shalt  }
0x7d: {  	_ =	shalt  }
0x7e: {  	_ =	shalt  }
0x7f: {  	_ =	shalt  }
0x80: {  	_ =	shalt  }
0x81: {  	_ =	shalt  }
0x82: {  	_ =	shalt  }
0x83: {  	_ =	shalt  }
0x84: {  	_ =	shalt  }
0x85: {  	_ =	shalt  }
0x86: {  	_ =	shalt  }
0x87: {  	_ =	shalt  }
.Lfunc_end0:
.L_simem_size_0:
called_computation_lowered:
.L_overlay_start_0:
0x88: {  	s2 =	sld [smem:$0x3FD9]  }
0x89: {  	s3 =	sld [smem:$0x3FFE];
	_ =	sdelay $0x1  }
0x8a: {  	s1 =	srdreg.scid  }
0x8b: {  	s0 =	sand.u32 $0x1, s1  }
0x8c: {  	s16 =	sshll.u32 s0, $0xA;
	s2 =	sadd.s32 s3, s2  }
0x8d: {  	s2 =	sadd.s32 s2, s16  }
0x8e: {  	[smem:$0x3FC7] =	sst s2  }
0x8f: {  	_ = 	snop  }
0x90: {  	(tm) =	ssettm $0x1  }
0x91: {  	s17 =	sld [smem:$0x3FFB];
	_ =	sdelay $0x3  }
0x92: {  	_ =	strace s17  }
0x93: {  	s2 =	sld [smem:$0x3FFC];
	_ =	sdelay $0x3  }
0x94: {  	_ =	strace s2  }
0x95: {  	s2 =	sld [smem:$0x3FFD];
	_ =	sdelay $0x3  }
0x96: {  	_ =	strace s2  }
0x97: {  	_ =	strace $0x8FFFFFFF  }
0x98: {  	s18 =	sld [smem:$0x3FDB];
	_ =	sdelay $0x1  }
0x99: {  	s19 =	simm.s32 $_scs_section_size  }
0x9a: {  	s4 =	simm.s32 $_size__tile_overlayer_lowered;
	s5 =	simm.s32 $_tile_overlayer_lowered  }
0x9b: {  	s22 =	simm.s32 $0x1BFF;
	s21 =	sshll.u32 s5, $0x1;
	s2 =	sadd.s32 s19, s18  }
0x9c: {  	s6 =	simm.s32 $0x0;
	s20 =	sshll.u32 s4, $0x1;
	s4 =	sadd.s32 s21, s2  }
0x9d: {  	[timem:s6], [sflag:s22] =	dma.local [hbm:s4], s20  }
0x9e: {  	_ =	swait.ge [sflag:s22], s20  }
0x9f: {  	s3 =	ssub.s32 $0x0, s20;
	[sflag:s22] =	ssyncset.done $0x0  }
0xa0: {  	[sflag:s22] =	ssyncadd.s32 s3;
	_ =	sdelay $0x1  }
0xa1: {  	s23 =	simm.s32 $0x1B8B  }
0xa2: {  	_ =	swait.ge [sflag:s23], $0x1  }
0xa3: {  	[sflag:s23] =	ssyncset.done $0x0  }
0xa4: {  	s25 =	simm.s32 $0x1B8E;
	s24 =	sld [smem:$0x3FFE];
	[sflag:s23] =	ssyncadd.s32 $0xFFFFFFFF  }
0xa5: {  	s26 =	simm.s32 $execute0_lowered;
	[smem:$0x3FD2] =	sst s25  }
0xa6: {  	s4 =	sshll.u32 s26, $0x1;
	_ =	strace $0x80000046;
	[dreg:$0x1] =	wrdreg $0xFFFFFFFF  }
0xa7: {  	s28 =	simm.s32 $_size_execute0_lowered;
	s2 =	sadd.s32 s2, s4;
	[dreg:$0x0] =	wrdreg $0x0  }
0xa8: {  	s4 =	sshll.u32 s28, $0x1;
	[dreg:$0x2] =	wrdreg s2  }
0xa9: {  	[dreg:$0x3] =	wrdreg s4  }
0xaa: {  	[dreg:$0x4] =	wrdreg $0xC0  }
0xab: {  	_ =	task [dreg:s6], $0x5FFFF  }
0xac: {  	[dreg:$0x1] =	wrdreg $0xFFFFFFFF  }
0xad: {  	[dreg:$0x0] =	wrdreg $0x60  }
0xae: {  	[dreg:$0x2] =	wrdreg s24  }
0xaf: {  	[dreg:$0x3] =	wrdreg $0x9  }
0xb0: {  	_ =	task.clear_ibuf [dreg:s6], $0x4FFFF;
	_ =	strace $0x90000046  }
0xb1: {  	s29 =	simm.s32 $0x9;
	_ =	strace $0x80000048  }
0xb2: {  	_ =	swait.ge [sflag:s29], $0x1  }
0xb3: {  	[sflag:s29] =	ssyncadd.s32 $0xFFFFFFFF  }
0xb4: {  	_ =	strace $0x90000048  }
0xb5: {  	_ =	sfence  }
0xb6: {  	s30 =	sld [smem:$0x0];
	_ =	sdelay $0x2  }
0xb7: {  	s31 =	sshll.u32 s1, $0xD;
	s1 =	sshrl.u32 s1, $0x2  }
0xb8: {  	s3 =	sand.u32 $0x4000, s31;
	s1 =	sadd.s32 s1, s30  }
0xb9: {  	s0 =	sor.u32 s3, s0;
	s1 =	sshll.u32 s1, $0x11  }
0xba: {  	s0 =	sor.u32 s1, s0  }
0xbb: {  	s0 =	sadd.s32 $0x8F2B, s0  }
0xbc: {  	[sflag:s0] =	ssyncadd.remote.s32 $0x1  }
0xbd: {  	_ =	sfence.sel $0xFFFF  }
0xbe: {  	[dreg:$0x0] =	wrdreg $0xFFFFFFFF;
	(pc) =	sbr.abs _section_cstart, $3  }
0xbf: {  	[dreg:$0x1] =	wrdreg $0xFFFFFFFF  }
0xc0: {  	_ =	task.clear_ibuf [dreg:s6], $0x2FFFF;
	_ =	strace $0x9FFFFFFF  }
0xc1: {  	(tm) =	ssettm $0x7FFFFFFF  }
tec
execute0_lowered:
.L_overlay_start_1:
0x0: {  	(tag) =	ssettag $0x1  }
0x1: {  	s0 =	rddreg [dreg:$0x0];
	s1 =	simm.s32 $0x0;
	s2 =	srdreg.scid  }
0x2: {  	s8 =	stileid.u32;
	s11 =	simm.s32 $0x400;
	s12 =	simm.s32 $0x1  }
0x3: {  	s13 =	simm.s32 $0x1D100;
	s14 =	simm.s32 $0x18700;
	s15 =	simm.s32 $0x1D400  }
0x4: {  	s16 =	simm.s32 $0x1D000;
	s17 =	simm.s32 $0x1D080;
	s3 =	sand.u32 $0x1, s2  }
.Ltmp0:
0x5: {  	[smem:$0x7FF] =	sst s1;
	s6 =	ssub.s32 $0x2, s3;
	(pc) =	sbr.rel .LBB2_1-.Ltmp0, $4  }
0x6: {  	v0 =	vlaneseq.u32;
	v2 =	vimm.s32 $0x0;
	s2 =	sadd.s32 $0x800, s0;
	s4 =	sadd.s32 $0x187800, s0;
	s31 =	sshrl.u32 s6, $0x1  }
0x7: {  	v3 =	vimm.f32 $-Inf;
	v4 =	vimm.s32 $0x270;
	s5 =	sadd.s32 $0x188000, s0;
	s7 =	smul.u32 $0xC3800, s8;
	v1 =	vmul.u32 $0xFFFFFFFF, v0;
	s0 =	ssub.s32 s6, s31  }
0x8: {  	v5 =	vimm.s32 $0x200;
	v8 =	vimm.s32 $0x1;
	vm0 =	vmxor vm0, vm0;
	s8 =	sshll.u32 s8, $0xA;
	_ =	strace $0x80000047;
	s0 =	smax.u32 s0, $0x1  }
0x9: {  	v6 =	vmul.u32 $0x400, v0;
	v7 =	vadd.s32 $0x271, v1;
	v9 =	vadd.s32 $0xF, v1;
	s6 =	sshll.u32 s3, $0x9;
	s3 =	simm.s32 $0x0;
	[dreg:$0x2] =	wrdreg s0  }
.LBB2_42:
0xa: {  	s3 =	rddreg [dreg:$0x3]  }
0xb: {  	s0 =	rddreg [dreg:$0x2];
	s3 =	sadd.s32 $0x1, s3  }
0xc: {  	p0 =	sne.s32 s3, s0  }
.Ltmp1:
0xd: {  	_ = 	snop;
	(pc) =	sbr.rel @!p0 .LBB2_43-.Ltmp1, $1  }
0xe: {  	_ =	sdelay $0x3  }
.LBB2_1:
0xf: {  	[dreg:$0x3] =	wrdreg s3;
	s3 =	simm.s32 $0x100;
	s0 =	simm.s32 $0x0  }
.LBB2_2:
0x10: {  	p0 =	sne.s32 s3, $0xFF00;
	[tilespmem:s0+$0x18730] =	vst v2;
	s19 =	smov.u32 s3;
	s3 =	sadd.s32 $0x100, s3  }
.Ltmp2:
0x11: {  	[tilespmem:s0+$0x18720] =	vst v2;
	(pc) =	sbr.rel @p0 .LBB2_2-.Ltmp2, $3  }
0x12: {  	[tilespmem:s0+$0x18700] =	vst v2  }
0x13: {  	[tilespmem:s0+$0x18710] =	vst v2;
	_ =	sdelay $0x1  }
0x14: {  	s0 =	sshra.s32 s19, $0x2  }
0x15: {  	[tilespmem:s0+$0x18730] =	vst v2  }
0x16: {  	[tilespmem:s0+$0x18720] =	vst v2  }
0x17: {  	[tilespmem:s0+$0x18700] =	vst v2  }
0x18: {  	[tilespmem:s0+$0x18710] =	vst v2  }
0x19: {  	[tilespmem:$0x1D100] =	vst v3  }
0x1a: {  	[tilespmem:$0x1D110] =	vst v3  }
0x1b: {  	[tilespmem:$0x1D120] =	vst v3  }
0x1c: {  	[tilespmem:$0x1D130] =	vst v3  }
0x1d: {  	[tilespmem:$0x1D140] =	vst v3  }
0x1e: {  	[tilespmem:$0x1D150] =	vst v3  }
0x1f: {  	[tilespmem:$0x1D160] =	vst v3  }
0x20: {  	[tilespmem:$0x1D170] =	vst v3  }
0x21: {  	[tilespmem:$0x1D180] =	vst v3  }
0x22: {  	[tilespmem:$0x1D190] =	vst v3  }
0x23: {  	[tilespmem:$0x1D1A0] =	vst v3  }
0x24: {  	[tilespmem:$0x1D1B0] =	vst v3  }
0x25: {  	[tilespmem:$0x1D1C0] =	vst v3  }
0x26: {  	[tilespmem:$0x1D1D0] =	vst v3  }
0x27: {  	[tilespmem:$0x1D1E0] =	vst v3  }
0x28: {  	[tilespmem:$0x1D1F0] =	vst v3  }
0x29: {  	[tilespmem:$0x1D200] =	vst v3  }
0x2a: {  	[tilespmem:$0x1D210] =	vst v3  }
0x2b: {  	[tilespmem:$0x1D220] =	vst v3  }
0x2c: {  	[tilespmem:$0x1D230] =	vst v3  }
0x2d: {  	[tilespmem:$0x1D240] =	vst v3  }
0x2e: {  	[tilespmem:$0x1D250] =	vst v3  }
0x2f: {  	[tilespmem:$0x1D260] =	vst v3  }
0x30: {  	[tilespmem:$0x1D270] =	vst v3  }
0x31: {  	[tilespmem:$0x1D280] =	vst v3  }
0x32: {  	[tilespmem:$0x1D290] =	vst v3  }
0x33: {  	[tilespmem:$0x1D2A0] =	vst v3  }
0x34: {  	[tilespmem:$0x1D2B0] =	vst v3  }
0x35: {  	[tilespmem:$0x1D2C0] =	vst v3  }
0x36: {  	[tilespmem:$0x1D2D0] =	vst v3  }
0x37: {  	[tilespmem:$0x1D2E0] =	vst v3  }
0x38: {  	[tilespmem:$0x1D2F0] =	vst v3  }
0x39: {  	[tilespmem:$0x1D300] =	vst v3  }
0x3a: {  	[tilespmem:$0x1D310] =	vst v3  }
0x3b: {  	[tilespmem:$0x1D320] =	vst v3  }
0x3c: {  	[tilespmem:$0x1D330] =	vst v3  }
.Ltmp3:
0x3d: {  	[tilespmem:$0x1D340] =	vst v3;
	(pc) =	sbr.rel .LBB2_4-.Ltmp3, $4  }
0x3e: {  	[tilespmem:$0x1D350] =	vst v3  }
0x3f: {  	[tilespmem:$0x1D360] =	vst v3  }
0x40: {  	[tilespmem:$0x1D370] =	vst v3  }
0x41: {  	s19 =	simm.s32 $0x0;
	s20 =	simm.s32 $0x0;
	[tilespmem:$0x1D380] =	vst v3  }
.LBB2_41:
0x42: {  	s0 =	sadd.s32 s8, s21  }
0x43: {  	s0 =	sshrl.u32 s0, $0x3  }
0x44: {  	s3 =	sadd.s32 s4, s0  }
0x45: {  	[hbm4b:s3+s1] =	stream.linear.scatter [tilespmem:s16], [sflag:$0x1], $0x80, $0x38;
	[tilespmem:$0x1D700] =	vst v63  }
0x46: {  	s20 =	sadd.s32 $0x1, s20;
	_ =	swait.ge [sflag:s12], $0x80  }
0x47: {  	p0 =	sne.s32 s20, $0x4;
	[sflag:s12] =	ssyncset.done $0x0  }
.Ltmp4:
0x48: {  	s0 =	sadd.s32 s5, s0;
	[sflag:s12] =	ssyncadd.s32 $0xFFFFFF80;
	(pc) =	sbr.rel @!p0 .LBB2_42-.Ltmp4, $4  }
0x49: {  	[hbm4b:s0+s1] =	stream.linear.scatter [tilespmem:s17], [sflag:$0x1], $0x80, $0x38;
	[tilespmem:$0x1D700] =	vst v63  }
0x4a: {  	_ =	swait.ge [sflag:s12], $0x80  }
0x4b: {  	[sflag:s12] =	ssyncset.done $0x0  }
0x4c: {  	[sflag:s12] =	ssyncadd.s32 $0xFFFFFF80  }
.LBB2_4:
0x4d: {  	s0 =	sshll.u32 s20, $0x7  }
0x4e: {  	s21 =	sadd.s32 s6, s0  }
0x4f: {  	s0 =	sadd.s32 s7, s21  }
0x50: {  	s0 =	sshrl.u32 s0, $0x3  }
0x51: {  	s3 =	simm.s32 $0x80;
	s0 =	sadd.s32 s2, s0  }
0x52: {  	[tilespmem:s19], [sflag:$0x1] =	stream.strided.gather [hbm4b:s0+s3], $0x18700, s11, s3, $0x38;
	[tilespmem:$0x1D700] =	vst v63  }
0x53: {  	_ =	swait.ge [sflag:s12], $0x18700  }
0x54: {  	[sflag:s12] =	ssyncset.done $0x0  }
0x55: {  	s30 =	simm.s32 $0x1E0;
	s3 =	simm.s32 $0x140;
	[sflag:s12] =	ssyncadd.s32 $0xFFFE7900  }
0x56: {  	s22 =	sor.u32 $0x70, s30;
	v10 =	vld [tilespmem:s3+$0xA0]  }
0x57: {  	v11 =	vld [tilespmem:s22+$0x0]  }
0x58: {  	v12 =	vld [tilespmem:s3+$0xC0]  }
0x59: {  	v13 =	vld [tilespmem:s3+$0xD0]  }
0x5a: {  	s0 =	sor.u32 $0x30, s30;
	v14 =	vld [tilespmem:s3+$0xE0]  }
0x5b: {  	s9 =	simm.s32 $0x240;
	v15 =	vld [tilespmem:s0+$0x40]  }
0x5c: {  	s10 =	sor.u32 $0x50, s9;
	v16 =	vld [tilespmem:s3+$0x100]  }
0x5d: {  	v17 =	vld [tilespmem:s10+$0x0]  }
0x5e: {  	s18 =	simm.s32 $0xA0;
	v18 =	vld [tilespmem:s3+$0x120]  }
0x5f: {  	s23 =	simm.s32 $0x140;
	s25 =	sor.u32 $0x30, s18;
	v19 =	vld [tilespmem:s3+$0x130]  }
0x60: {  	s24 =	sor.u32 $0x50, s23;
	v20 =	vld [tilespmem:s25+$0x0]  }
0x61: {  	v21 =	vld [tilespmem:s24+$0x0]  }
0x62: {  	v22 =	vld [tilespmem:s3+$0xFFFFFED0]  }
0x63: {  	v23 =	vld [tilespmem:s3+$0xFFFFFF60]  }
0x64: {  	v24 =	vld [tilespmem:s3+$0x40]  }
0x65: {  	v26 =	vld [tilespmem:s3+$0xFFFFFF10]  }
0x66: {  	v28 =	vld [tilespmem:s3+$0x50]  }
0x67: {  	v29 =	vld [tilespmem:s3+$0xFFFFFF20]  }
0x68: {  	v31 =	vld [tilespmem:s3+$0xFFFFFFC0]  }
0x69: {  	v32 =	vld [tilespmem:s3+$0x60]  }
0x6a: {  	v33 =	vld [tilespmem:s3+$0xFFFFFF30]  }
0x6b: {  	v10 =	vmax.f32 v10, v11;
	v11 =	vld [tilespmem:s3+$0x0]  }
0x6c: {  	s26 =	sor.u32 $0x60, s23;
	v10 =	vmax.f32 v10, v12;
	v12 =	vld [tilespmem:s3+$0xFFFFFEC0]  }
0x6d: {  	v10 =	vmax.f32 v10, v13;
	v13 =	vld [tilespmem:s26+$0x0]  }
0x6e: {  	s28 =	simm.s32 $0xC0;
	v10 =	vmax.f32 v10, v14;
	v14 =	vld [tilespmem:s3+$0xFFFFFEE0]  }
0x6f: {  	s22 =	sor.u32 $0x50, s28;
	v10 =	vmax.f32 v10, v15;
	v15 =	vld [tilespmem:s3+$0xFFFFFF80]  }
0x70: {  	s23 =	sor.u32 $0x70, s23;
	v10 =	vmax.f32 v10, v16;
	v16 =	vld [tilespmem:s22+$0x0]  }
0x71: {  	v10 =	vmax.f32 v10, v17;
	v17 =	vld [tilespmem:s23+$0x0]  }
0x72: {  	s29 =	sor.u32 $0x60, s18;
	v10 =	vmax.f32 v10, v18;
	v18 =	vld [tilespmem:s3+$0xFFFFFEF0]  }
0x73: {  	v10 =	vmax.f32 v10, v19;
	v19 =	vld [tilespmem:s29+$0x0]  }
0x74: {  	s30 =	simm.s32 $0x3;
	s0 =	sor.u32 $0x70, s18;
	(xrf0) =	vmax.scan.msk.f32 $0xffff, v10;
	v10 =	vld [tilespmem:s3+$0xFFFFFF00]  }
0x75: {  	v27 =	vmov s30;
	v25 =	vld [tilespmem:s0+$0x0]  }
0x76: {  	v63 =	vld [tilespmem:s3+$0xFFFFFFD0];
	v20 =	vmax.f32 v23, v20;
	v11 =	vmax.f32 v11, v21;
	v12 =	vmax.f32 v12, v22  }
0x77: {  	v11 =	vmax.f32 v11, v13;
	v12 =	vmax.f32 v12, v14;
	v14 =	vld [tilespmem:s3+$0x70];
	v13 =	vmax.f32 v20, v15  }
0x78: {  	v15 =	vmax.f32 v13, v16;
	v11 =	vmax.f32 v11, v17;
	v12 =	vmax.f32 v12, v18;
	v18 =	vld [tilespmem:s3+$0xFFFFFF40]  }
0x79: {  	v13 =	vld [tilespmem:s3+$0xFFFFFFE0];
	v11 =	vmax.f32 v11, v24;
	v15 =	vmax.f32 v15, v19;
	v10 =	vmax.f32 v12, v10  }
0x7a: {  	v16 =	vmax.f32 v11, v28;
	v12 =	vld [tilespmem:s3+$0x80];
	v15 =	vmax.f32 v15, v25;
	v30, _, _ =	vpop (xrf0);
	v10 =	vmax.f32 v10, v26  }
0x7b: {  	v11 =	vld [tilespmem:s3+$0xFFFFFF50];
	v15 =	vmax.f32 v15, v31;
	v30 =	vbroadcast v30, $0xF;
	v10 =	vmax.f32 v10, v29  }
0x7c: {  	s31 =	simm.s32 $0x460;
	s25 =	simm.s32 $0x8;
	s24 =	simm.s32 $0x0;
	v16 =	vmax.f32 v16, v32;
	v17 =	vmax.f32 v15, v63;
	v19 =	vmax.f32 v10, v33;
	v10 =	vld [tilespmem:s3+$0xFFFFFFF0]  }
0x7d: {  	s0 =	simm.s32 $0x4C0;
	s22 =	simm.s32 $0x4;
	s23 =	simm.s32 $0x3C0;
	v15 =	vmax.f32 v16, v14;
	v14 =	vld [tilespmem:s3+$0x90];
	[tilespmem:v27+s13+$0x0] =	vst.idx.msk $0x1, v30;
	v16 =	vmax.f32 v19, v18  }
.LBB2_5:
0x7e: {  	p0 =	slt.u32 s25, $0x26C;
	s3 =	sadd.s32 $0xFFFFFE60, s0;
	v18 =	vld [tilespmem:s23+$0xA0];
	s26 =	sor.u32 $0x70, s31;
	v13 =	vmax.f32 v17, v13  }
0x7f: {  	s28 =	sadd.s32 $0xFFFFFE80, s0;
	s29 =	sadd.s32 $0xFFFFFF00, s0;
	s9 =	sor.u32 $0x30, s3;
	v17 =	vld [tilespmem:s26+$0x0];
	v12 =	vmax.f32 v15, v12  }
0x80: {  	s28 =	sor.u32 $0x50, s28;
	s18 =	sor.u32 $0x50, s29;
	s30 =	sor.u32 $0x60, s29;
	v15 =	vld [tilespmem:s23+$0xC0];
	v11 =	vmax.f32 v16, v11  }
0x81: {  	s26 =	sor.u32 $0x60, s3;
	s3 =	sor.u32 $0x70, s3;
	s29 =	sor.u32 $0x70, s29;
	v16 =	vld [tilespmem:s23+$0xD0];
	v10 =	vmax.f32 v13, v10;
	(xrf0) =	vmax.scan.msk.f32 $0xffff, v11  }
0x82: {  	s31 =	sor.u32 $0x30, s31;
	s10 =	sadd.s32 $0x1, s24;
	v13 =	vmov s24;
	s24 =	sadd.s32 $0x2, s24;
	v11 =	vld [tilespmem:s23+$0xE0];
	v12 =	vmax.f32 v12, v14;
	(xrf0) =	vmax.scan.msk.f32 $0xffff, v10  }
0x83: {  	v13 =	vand.u32 $0xFFFFFFFC, v13;
	v14 =	vmov s10;
	v19 =	vmov s24;
	s24 =	smov.u32 s22;
	s22 =	smov.u32 s25;
	v10 =	vld [tilespmem:s31+$0x40];
	(xrf0) =	vmax.scan.msk.f32 $0xffff, v12  }
0x84: {  	s10 =	sor.u32 $0x50, s0;
	v13 =	vbroadcast v13, $0x0;
	v14 =	vand.u32 $0xFFFFFFFD, v14;
	v12 =	vmax.f32 v18, v17;
	v17 =	vld [tilespmem:s23+$0x100]  }
0x85: {  	v14 =	vbroadcast v14, $0x0;
	v18 =	vand.u32 $0xFFFFFFFE, v19;
	v12 =	vmax.f32 v12, v15;
	v15 =	vld [tilespmem:s10+$0x0]  }
0x86: {  	v18 =	vbroadcast v18, $0x0;
	v12 =	vmax.f32 v12, v16;
	v16 =	vld [tilespmem:s23+$0x120]  }
0x87: {  	v11 =	vmax.f32 v12, v11;
	v12 =	vld [tilespmem:s23+$0x130];
	v19, _, _ =	vpop (xrf0)  }
0x88: {  	v20 =	vld [tilespmem:s9+$0x0];
	v10 =	vmax.f32 v11, v10;
	v11 =	vbroadcast v19, $0xF;
	v19, _, _ =	vpop (xrf0)  }
0x89: {  	v21 =	vld [tilespmem:s18+$0x0];
	v10 =	vmax.f32 v10, v17;
	v17 =	vbroadcast v19, $0xF;
	v19, _, _ =	vpop (xrf0)  }
0x8a: {  	v22 =	vld [tilespmem:s23+$0xFFFFFED0];
	v10 =	vmax.f32 v10, v15;
	[tilespmem:v13+s13+$0x0] =	vst.idx.msk $0x1, v11;
	v11 =	vbroadcast v19, $0xF  }
0x8b: {  	v13 =	vld [tilespmem:s23+$0xFFFFFF60];
	v10 =	vmax.f32 v10, v16;
	[tilespmem:v14+s13+$0x0] =	vst.idx.msk $0x1, v17  }
0x8c: {  	v14 =	vld [tilespmem:s23+$0x0];
	v10 =	vmax.f32 v10, v12;
	[tilespmem:v18+s13+$0x0] =	vst.idx.msk $0x1, v11  }
0x8d: {  	v11 =	vld [tilespmem:s23+$0xFFFFFEC0];
	(xrf0) =	vmax.scan.msk.f32 $0xffff, v10  }
0x8e: {  	v10 =	vld [tilespmem:s30+$0x0]  }
0x8f: {  	v12 =	vld [tilespmem:s23+$0xFFFFFEE0]  }
0x90: {  	s9 =	sadd.s32 $0x3, s24;
	v13 =	vmax.f32 v13, v20;
	v15 =	vld [tilespmem:s23+$0xFFFFFF80]  }
0x91: {  	v17 =	vmov s9;
	v16 =	vld [tilespmem:s28+$0x0];
	v20 =	vmax.f32 v14, v21  }
0x92: {  	v11 =	vmax.f32 v11, v22;
	v18 =	vld [tilespmem:s29+$0x0]  }
0x93: {  	v19 =	vld [tilespmem:s23+$0xFFFFFEF0];
	v10 =	vmax.f32 v20, v10;
	v14, _, _ =	vpop (xrf0)  }
0x94: {  	v11 =	vmax.f32 v11, v12;
	v12 =	vld [tilespmem:s26+$0x0];
	v14 =	vbroadcast v14, $0xF  }
0x95: {  	v20 =	vld [tilespmem:s23+$0xFFFFFF00];
	v13 =	vmax.f32 v13, v15  }
0x96: {  	v13 =	vmax.f32 v13, v16;
	v15 =	vld [tilespmem:s23+$0x40];
	[tilespmem:v17+s13+$0x0] =	vst.idx.msk $0x1, v14  }
0x97: {  	v14 =	vld [tilespmem:s3+$0x0];
	v10 =	vmax.f32 v10, v18  }
0x98: {  	v11 =	vmax.f32 v11, v19;
	v16 =	vld [tilespmem:s23+$0xFFFFFF10]  }
0x99: {  	v12 =	vmax.f32 v13, v12;
	v13 =	vld [tilespmem:s23+$0x50]  }
0x9a: {  	v11 =	vmax.f32 v11, v20;
	v17 =	vld [tilespmem:s23+$0xFFFFFF20]  }
0x9b: {  	v18 =	vld [tilespmem:s23+$0xFFFFFFC0];
	v10 =	vmax.f32 v10, v15  }
0x9c: {  	v12 =	vmax.f32 v12, v14;
	v14 =	vld [tilespmem:s23+$0x60]  }
0x9d: {  	v11 =	vmax.f32 v11, v16;
	v15 =	vld [tilespmem:s23+$0xFFFFFF30]  }
0x9e: {  	v16 =	vld [tilespmem:s23+$0xFFFFFFD0];
	v10 =	vmax.f32 v10, v13  }
0x9f: {  	v11 =	vmax.f32 v11, v17;
	v19 =	vld [tilespmem:s23+$0x70]  }
0xa0: {  	v20 =	vld [tilespmem:s23+$0xFFFFFF40];
	v17 =	vmax.f32 v12, v18  }
.Ltmp5:
0xa1: {  	v13 =	vld [tilespmem:s23+$0xFFFFFFE0];
	v14 =	vmax.f32 v10, v14;
	(pc) =	sbr.rel @p0 .LBB2_5-.Ltmp5, $4  }
0xa2: {  	v18 =	vmax.f32 v11, v15;
	v12 =	vld [tilespmem:s23+$0x80]  }
0xa3: {  	v11 =	vld [tilespmem:s23+$0xFFFFFF50];
	v17 =	vmax.f32 v17, v16  }
0xa4: {  	s0 =	sadd.s32 $0x280, s0;
	v10 =	vld [tilespmem:s23+$0xFFFFFFF0];
	v15 =	vmax.f32 v14, v19  }
0xa5: {  	s25 =	sadd.s32 $0x4, s25;
	s31 =	sadd.s32 $0xFFFFFFA0, s0;
	v16 =	vmax.f32 v18, v20;
	v14 =	vld [tilespmem:s23+$0x90];
	s23 =	sadd.s32 $0x280, s23  }
0xa6: {  	v18 =	vld [tilespmem:s23+$0xA0]  }
0xa7: {  	v20 =	vld [tilespmem:s23+$0xC0]  }
0xa8: {  	v21 =	vld [tilespmem:s23+$0xD0]  }
0xa9: {  	v22 =	vld [tilespmem:s23+$0xE0]  }
0xaa: {  	v24 =	vld [tilespmem:s23+$0x100]  }
0xab: {  	v26 =	vld [tilespmem:s23+$0x120]  }
0xac: {  	v27 =	vld [tilespmem:s23+$0x130]  }
0xad: {  	v30 =	vld [tilespmem:s23+$0xFFFFFED0]  }
0xae: {  	v31 =	vld [tilespmem:s23+$0xFFFFFF60]  }
0xaf: {  	v32 =	vld [tilespmem:s23+$0x0]  }
0xb0: {  	v33 =	vld [tilespmem:s23+$0xFFFFFEC0]  }
0xb1: {  	v35 =	vld [tilespmem:s23+$0xFFFFFEE0]  }
0xb2: {  	v36 =	vld [tilespmem:s23+$0xFFFFFF80]  }
0xb3: {  	v39 =	vld [tilespmem:s23+$0xFFFFFEF0]  }
0xb4: {  	v41 =	vld [tilespmem:s23+$0xFFFFFF00]  }
0xb5: {  	v50 =	vld [tilespmem:s23+$0x40]  }
0xb6: {  	v52 =	vld [tilespmem:s23+$0xFFFFFF10]  }
0xb7: {  	v53 =	vld [tilespmem:s23+$0x50]  }
0xb8: {  	v54 =	vld [tilespmem:s23+$0xFFFFFF20]  }
0xb9: {  	v56 =	vld [tilespmem:s23+$0xFFFFFFC0]  }
0xba: {  	v58 =	vld [tilespmem:s23+$0x60]  }
0xbb: {  	v60 =	vld [tilespmem:s23+$0xFFFFFF30]  }
0xbc: {  	v63 =	vld [tilespmem:s23+$0xFFFFFFD0]  }
0xbd: {  	s3 =	sor.u32 $0x70, s31;
	v42 =	vld [tilespmem:s23+$0xFFFFFFF0]  }
0xbe: {  	s28 =	sor.u32 $0x30, s31;
	s30 =	sadd.s32 $0xFFFFFE60, s0;
	v19 =	vld [tilespmem:s3+$0x0]  }
0xbf: {  	s10 =	sadd.s32 $0xFFFFFF00, s0;
	v23 =	vld [tilespmem:s28+$0x40];
	s9 =	sor.u32 $0x30, s30  }
0xc0: {  	s18 =	sor.u32 $0x50, s10;
	v28 =	vld [tilespmem:s9+$0x0]  }
0xc1: {  	s29 =	sor.u32 $0x50, s0;
	v29 =	vld [tilespmem:s18+$0x0]  }
0xc2: {  	v13 =	vmax.f32 v17, v13;
	s26 =	sadd.s32 $0x1, s24;
	v25 =	vld [tilespmem:s29+$0x0];
	s31 =	sor.u32 $0x60, s10;
	s9 =	sadd.s32 $0xFFFFFE80, s0  }
0xc3: {  	v12 =	vmax.f32 v15, v12;
	s28 =	sadd.s32 $0x2, s24;
	v43 =	vmov s26;
	v34 =	vld [tilespmem:s31+$0x0];
	v11 =	vmax.f32 v16, v11;
	s0 =	sor.u32 $0x50, s9  }
0xc4: {  	s10 =	sor.u32 $0x70, s10;
	v45 =	vmov s28;
	v10 =	vmax.f32 v13, v10;
	v37 =	vld [tilespmem:s0+$0x0];
	v62 =	vmax.f32 v33, v30  }
0xc5: {  	v38 =	vld [tilespmem:s10+$0x0];
	s18 =	sor.u32 $0x60, s30;
	v12 =	vmax.f32 v12, v14;
	v18 =	vmax.f32 v18, v19;
	v17 =	vmax.f32 v62, v35  }
0xc6: {  	s25 =	sor.u32 $0x70, s30;
	v40 =	vld [tilespmem:s18+$0x0];
	v18 =	vmax.f32 v18, v20;
	v61 =	vmax.f32 v31, v28;
	v33 =	vmax.f32 v32, v29  }
0xc7: {  	v51 =	vld [tilespmem:s25+$0x0];
	v17 =	vmax.f32 v17, v39;
	v39 =	vmov s24;
	v18 =	vmax.f32 v18, v21  }
0xc8: {  	v35 =	vld [tilespmem:s23+$0x70];
	v15 =	vmax.f32 v61, v36;
	v17 =	vmax.f32 v17, v41;
	v18 =	vmax.f32 v18, v22  }
0xc9: {  	v36 =	vld [tilespmem:s23+$0xFFFFFF40];
	v41 =	vand.u32 $0xFFFFFFFC, v39;
	v15 =	vmax.f32 v15, v37;
	v18 =	vmax.f32 v18, v23  }
0xca: {  	v37 =	vld [tilespmem:s23+$0xFFFFFFE0];
	v17 =	vmax.f32 v17, v52;
	v46 =	vbroadcast v41, $0x0;
	v55 =	vmax.f32 v18, v24  }
0xcb: {  	v15 =	vmax.f32 v15, v40;
	v40 =	vld [tilespmem:s23+$0xFFFFFF50];
	v57 =	vmax.f32 v55, v25;
	v25 =	vmax.f32 v33, v34  }
0xcc: {  	(xrf0) =	vmax.scan.msk.f32 $0xffff, v11;
	v17 =	vmax.f32 v17, v54;
	v15 =	vmax.f32 v15, v51;
	v25 =	vmax.f32 v25, v38;
	v38 =	vld [tilespmem:s23+$0x80]  }
0xcd: {  	v44 =	vld [tilespmem:s23+$0x90];
	v14 =	vmax.f32 v17, v60;
	v17 =	vand.u32 $0xFFFFFFFD, v43;
	v19 =	vmax.f32 v25, v50  }
0xce: {  	v15 =	vmax.f32 v15, v56;
	v17 =	vbroadcast v17, $0x0;
	v11 =	vmax.f32 v19, v53  }
0xcf: {  	(xrf0) =	vmax.scan.msk.f32 $0xffff, v10;
	v59 =	vmax.f32 v57, v26;
	v15 =	vmax.f32 v15, v63;
	v11 =	vmax.f32 v11, v58  }
0xd0: {  	(xrf0) =	vmax.scan.msk.f32 $0xffff, v12;
	v10 =	vmax.f32 v14, v36;
	v13 =	vmax.f32 v59, v27;
	v11 =	vmax.f32 v11, v35  }
0xd1: {  	v47 =	vmax.f32 v15, v37;
	(xrf0) =	vmax.scan.msk.f32 $0xffff, v13;
	v10 =	vmax.f32 v10, v40;
	v11 =	vmax.f32 v11, v38  }
0xd2: {  	s30 =	sadd.s32 $0x1, s22;
	v48, _, _ =	vpop (xrf0);
	v14 =	vand.u32 $0xFFFFFFFE, v45;
	v13 =	vmax.f32 v47, v42;
	(xrf0) =	vmax.scan.msk.f32 $0xffff, v10;
	v11 =	vmax.f32 v11, v44  }
0xd3: {  	v49 =	vmov s22;
	s31 =	sadd.s32 $0x2, s22;
	v51 =	vmov s30;
	v14 =	vbroadcast v14, $0x0;
	(xrf0) =	vmax.scan.msk.f32 $0xffff, v13  }
0xd4: {  	s29 =	sadd.s32 $0x3, s22;
	v52 =	vmov s31;
	v16 =	vand.u32 $0xFFFFFFFD, v51;
	v15 =	vand.u32 $0xFFFFFFFC, v49;
	(xrf0) =	vmax.scan.msk.f32 $0xffff, v11  }
0xd5: {  	v50 =	vmov s29;
	v15 =	vbroadcast v15, $0x0;
	v10 =	vbroadcast v48, $0xF;
	v11, _, _ =	vpop (xrf0)  }
0xd6: {  	v18 =	vand.u32 $0xFFFFFFFE, v52;
	v16 =	vbroadcast v16, $0x0;
	v53, _, _ =	vpop (xrf0);
	v11 =	vbroadcast v11, $0xF  }
0xd7: {  	v55 =	vbroadcast v18, $0x0;
	[tilespmem:v46+s13+$0x0] =	vst.idx.msk $0x1, v10;
	v54, _, _ =	vpop (xrf0);
	v10 =	vbroadcast v53, $0xF  }
0xd8: {  	[tilespmem:v17+s13+$0x0] =	vst.idx.msk $0x1, v11;
	v11 =	vbroadcast v54, $0xF;
	v56, _, _ =	vpop (xrf0)  }
0xd9: {  	[tilespmem:v14+s13+$0x0] =	vst.idx.msk $0x1, v10;
	v10 =	vbroadcast v56, $0xF;
	v57, _, _ =	vpop (xrf0)  }
0xda: {  	[tilespmem:v50+s13+$0x0] =	vst.idx.msk $0x1, v11;
	v11 =	vbroadcast v57, $0xF;
	v58, _, _ =	vpop (xrf0)  }
0xdb: {  	[tilespmem:v15+s13+$0x0] =	vst.idx.msk $0x1, v10;
	v10 =	vbroadcast v58, $0xF  }
0xdc: {  	[tilespmem:v16+s13+$0x0] =	vst.idx.msk $0x1, v11  }
0xdd: {  	[tilespmem:v55+s13+$0x0] =	vst.idx.msk $0x1, v10  }
0xde: {  	v10 =	vld [tilespmem:$0x18600]  }
0xdf: {  	v11 =	vld [tilespmem:$0x18610]  }
0xe0: {  	v12 =	vld [tilespmem:$0x18620]  }
0xe1: {  	v59 =	vld [tilespmem:$0x18630]  }
0xe2: {  	v60 =	vld [tilespmem:$0x18640]  }
0xe3: {  	v15 =	vld [tilespmem:$0x18650]  }
0xe4: {  	v10 =	vmax.f32 v10, v11;
	v11 =	vld [tilespmem:$0x18660]  }
0xe5: {  	v61 =	vld [tilespmem:$0x18670];
	v10 =	vmax.f32 v10, v12  }
0xe6: {  	v62 =	vld [tilespmem:$0x18680];
	v10 =	vmax.f32 v10, v59  }
0xe7: {  	v63 =	vld [tilespmem:$0x18690];
	v10 =	vmax.f32 v10, v60  }
0xe8: {  	v10 =	vmax.f32 v10, v15  }
0xe9: {  	v10 =	vmax.f32 v10, v11  }
0xea: {  	v10 =	vmax.f32 v10, v61  }
0xeb: {  	v10 =	vmax.f32 v10, v62  }
0xec: {  	v10 =	vmax.f32 v10, v63  }
0xed: {  	(xrf0) =	vmax.scan.msk.f32 $0xffff, v10;
	_ =	sdelay $0x5  }
0xee: {  	v10, _, _ =	vpop (xrf0)  }
0xef: {  	v10 =	vbroadcast v10, $0xF  }
0xf0: {  	s0 =	simm.s32 $0x1D100  }
0xf1: {  	s3 =	simm.s32 $0x0;
	s22 =	simm.s32 $0x0;
	[tilespmem:v4+s0+$0x0] =	vst.idx.msk $0x1, v10  }
.LBB2_7:
0xf2: {  	v10 =	vld [tilespmem:s0+$0x0];
	_ =	sdelay $0x4  }
0xf3: {  	vm1 =	vlt.s32 v10, $0x0  }
0xf4: {  	v11 =	vmov s3;
	v10 =	vshrl.u32 v10, $0x16;
	v12 =	vsel vm1, $0x3FF, v5  }
0xf5: {  	vm1 =	vlt.u32 v11, v7;
	v10 =	vxor.u32 v10, v12  }
0xf6: {  	p0 =	sne.s32 s3, $0x280;
	v10 =	vor.u32 v6, v10  }
.Ltmp6:
0xf7: {  	_ = 	snop;
	(pc) =	sbr.rel @p0 .LBB2_7-.Ltmp6, $2  }
0xf8: {  	_ =	sdelay $0x2  }
0xf9: {  	s0 =	sadd.s32 $0x10, s0;
	s3 =	sadd.s32 $0x10, s3;
	[tilespmem:v10+s14+$0x0] =	vst.idx.add.s32.msk vm1, v8  }
0xfa: {  	p4 =	por $0x0, $0x0  }
.Ltmp7:
0xfb: {  	_ = 	snop;
	(pc) =	sbr.rel @p4 .LBB2_9-.Ltmp7, $4  }
0xfc: {  	_ = 	snop  }
0xfd: {  	s26 =	simm.s32 $0x3FF  }
0xfe: {  	s23 =	simm.s32 $0x1AAF0;
	s25 =	simm.s32 $0x3EF;
	p0 =	por $0x0, $0x0  }
0xff: {  	v10 =	vimm.s32 $0x0;
	p1 =	por $0x0, $0x0;
	p2 =	por $0x0, $0x0;
	p3 =	por $0x0, $0x0  }
0x100: {  	p4 =	por $0x0, $0x0  }
.Ltmp8:
0x101: {  	_ = 	snop;
	(pc) =	sbr.rel @p4 .LBB2_11-.Ltmp8, $2  }
0x102: {  	_ =	sdelay $0x2  }
0x103: {  	s28 =	simm.s32 $0x3DF;
	p0 =	por $0x1, $0x1  }
0x104: {  	p4 =	por $0x0, $0x0  }
.Ltmp9:
0x105: {  	v18 =	vld [tilespmem:s23+$0xFFFFE000];
	[tilespmem:s23+$0xFFFFE000] =	vst v2;
	(pc) =	sbr.rel @p4 .LBB2_13-.Ltmp9, $4  }
0x106: {  	v20 =	vld [tilespmem:s23+$0xFFFFE400];
	[tilespmem:s23+$0xFFFFE400] =	vst v2  }
0x107: {  	v21 =	vld [tilespmem:s23+$0xFFFFE800];
	[tilespmem:s23+$0xFFFFE800] =	vst v2  }
0x108: {  	v22 =	vld [tilespmem:s23+$0xFFFFEC00];
	[tilespmem:s23+$0xFFFFEC00] =	vst v2  }
0x109: {  	v23 =	vld [tilespmem:s23+$0xFFFFF000];
	s0 =	simm.s32 $0x3CF;
	[tilespmem:s23+$0xFFFFF000] =	vst v2;
	p1 =	por $0x1, $0x1  }
0x10a: {  	v11 =	vld [tilespmem:s23+$0xFFFFF400]  }
0x10b: {  	v12 =	vld [tilespmem:s23+$0xFFFFF800]  }
0x10c: {  	[tilespmem:s23+$0xFFFFF400] =	vst v2;
	v14 =	vld [tilespmem:s23+$0xFFFFFC00]  }
0x10d: {  	[tilespmem:s23+$0xFFFFF800] =	vst v2;
	v15 =	vld [tilespmem:s23+$0x0];
	v13 =	vadd.s32 v18, v20  }
0x10e: {  	[tilespmem:s23+$0xFFFFFC00] =	vst v2;
	v16 =	vld [tilespmem:s23+$0x400];
	v13 =	vadd.s32 v21, v13  }
0x10f: {  	[tilespmem:s23+$0x0] =	vst v2;
	v17 =	vld [tilespmem:s23+$0x800];
	v13 =	vadd.s32 v22, v13  }
0x110: {  	[tilespmem:s23+$0x400] =	vst v2;
	v19 =	vld [tilespmem:s23+$0x1400];
	v13 =	vadd.s32 v23, v13  }
0x111: {  	[tilespmem:s23+$0x800] =	vst v2;
	v62 =	vld [tilespmem:s23+$0x1800];
	v11 =	vadd.s32 v11, v13  }
0x112: {  	[tilespmem:s23+$0x1400] =	vst v2;
	v18 =	vld [tilespmem:s23+$0xC00];
	v11 =	vadd.s32 v12, v11  }
0x113: {  	[tilespmem:s23+$0x1800] =	vst v2;
	v12 =	vld [tilespmem:s23+$0x1000];
	v11 =	vadd.s32 v14, v11  }
0x114: {  	v63 =	vld [tilespmem:s23+$0x1C00];
	[tilespmem:s23+$0x1C00] =	vst v2;
	v11 =	vadd.s32 v15, v11  }
0x115: {  	s30 =	simm.s32 $0x1AAE0;
	[tilespmem:s23+$0xC00] =	vst v2;
	v11 =	vadd.s32 v16, v11  }
0x116: {  	p4 =	por $0x0, $0x0;
	v13 =	vld [tilespmem:s30+$0xFFFFE000];
	[tilespmem:s30+$0xFFFFE000] =	vst v2;
	v11 =	vadd.s32 v17, v11  }
.Ltmp10:
0x117: {  	[tilespmem:s23+$0x1000] =	vst v2;
	v11 =	vadd.s32 v18, v11;
	(pc) =	sbr.rel @p4 .LBB2_15-.Ltmp10, $4  }
0x118: {  	v14 =	vld [tilespmem:s30+$0xFFFFE400];
	[tilespmem:s30+$0xFFFFE400] =	vst v2;
	v11 =	vadd.s32 v12, v11  }
0x119: {  	v15 =	vld [tilespmem:s30+$0xFFFFE800];
	[tilespmem:s30+$0xFFFFE800] =	vst v2;
	v11 =	vadd.s32 v19, v11  }
0x11a: {  	v16 =	vld [tilespmem:s30+$0xFFFFEC00];
	[tilespmem:s30+$0xFFFFEC00] =	vst v2;
	v11 =	vadd.s32 v62, v11  }
0x11b: {  	s24 =	simm.s32 $0x3BF;
	p2 =	por $0x1, $0x1;
	v17 =	vld [tilespmem:s30+$0xFFFFF000];
	[tilespmem:s30+$0xFFFFF000] =	vst v2;
	v11 =	vadd.s32 v63, v11  }
0x11c: {  	v12 =	vld [tilespmem:s30+$0xFFFFF400];
	[tilespmem:s30+$0xFFFFF400] =	vst v2  }
0x11d: {  	v18 =	vld [tilespmem:s30+$0xFFFFF800];
	[tilespmem:s30+$0xFFFFF800] =	vst v2;
	(xrf0) =	vadd.scan.msk.s32 $0xffff, v11  }
0x11e: {  	v19 =	vld [tilespmem:s30+$0xFFFFFC00];
	[tilespmem:s30+$0xFFFFFC00] =	vst v2;
	v21 =	vadd.s32 v13, v14  }
0x11f: {  	v20 =	vld [tilespmem:s30+$0x0];
	[tilespmem:s30+$0x0] =	vst v2;
	v23 =	vperm.xlane v11, v9;
	v21 =	vadd.s32 v15, v21  }
0x120: {  	v22 =	vld [tilespmem:s30+$0x400];
	[tilespmem:s30+$0x400] =	vst v2;
	v21 =	vadd.s32 v16, v21  }
0x121: {  	v24 =	vld [tilespmem:s30+$0x800];
	[tilespmem:s30+$0x800] =	vst v2;
	(xrf0) =	vadd.scan.msk.s32 $0xffff, v23;
	v21 =	vadd.s32 v17, v21  }
0x122: {  	v25 =	vld [tilespmem:s30+$0xC00];
	[tilespmem:s30+$0xC00] =	vst v2;
	v12 =	vadd.s32 v12, v21  }
0x123: {  	v26 =	vld [tilespmem:s30+$0x1000];
	[tilespmem:s30+$0x1000] =	vst v2;
	v12 =	vadd.s32 v18, v12;
	v29, _, _ =	vpop (xrf0)  }
0x124: {  	v27 =	vld [tilespmem:s30+$0x1400];
	[tilespmem:s30+$0x1400] =	vst v2;
	v12 =	vadd.s32 v19, v12;
	(v2sf) =	vpush v29, $0xF  }
0x125: {  	v28 =	vld [tilespmem:s30+$0x1800];
	[tilespmem:s30+$0x1800] =	vst v2;
	v12 =	vadd.s32 v20, v12  }
0x126: {  	v19 =	vld [tilespmem:s30+$0x1C00];
	[tilespmem:s30+$0x1C00] =	vst v2;
	s30 =	simm.s32 $0x1AAD0;
	v12 =	vadd.s32 v22, v12  }
0x127: {  	p4 =	por $0x0, $0x0;
	v20, _, _ =	vpop (xrf0);
	v18 =	vld [tilespmem:s30+$0xFFFFE000];
	v12 =	vadd.s32 v24, v12  }
.Ltmp11:
0x128: {  	[tilespmem:s30+$0xFFFFE000] =	vst v2;
	v21 =	vld [tilespmem:s30+$0xFFFFE800];
	v22 =	vadd.s32 s22, v20;
	v12 =	vadd.s32 v25, v12;
	(pc) =	sbr.rel @p4 .LBB2_17-.Ltmp11, $4  }
0x129: {  	[tilespmem:s30+$0xFFFFE800] =	vst v2;
	v20 =	vld [tilespmem:s30+$0xFFFFE400];
	v23 =	vsub.s32 v22, v23;
	v12 =	vadd.s32 v26, v12  }
0x12a: {  	[tilespmem:s30+$0xFFFFE400] =	vst v2;
	vm1 =	vgt.s32 v22, $0x3F;
	vm2 =	vlt.s32 v23, $0x40;
	v12 =	vadd.s32 v27, v12  }
0x12b: {  	v62 =	vadd.s32 s26, v1;
	s3 =	simm.s32 $0x3AF;
	v22 =	vld [tilespmem:s30+$0xFFFFEC00];
	[tilespmem:s30+$0xFFFFEC00] =	vst v2;
	vm1 =	vmand vm1, vm2;
	v63 =	vadd.s32 v28, v12  }
0x12c: {  	p3 =	por $0x1, $0x1;
	s31 =	simm.s32 $0x0;
	s29 =	simm.s32 $0x3EF;
	v23 =	vld [tilespmem:s30+$0xFFFFF000];
	[tilespmem:s30+$0xFFFFF000] =	vst v2;
	v12 =	vsel vm1, v62, v10;
	v19 =	vadd.s32 v19, v63  }
.LBB2_18:
0x12d: {  	p4 =	seq.s32 s3, $0xF;
	v24 =	vld [tilespmem:s30+$0xFFFFF400];
	[tilespmem:s30+$0xFFFFF400] =	vst v2;
	v25 =	vperm.xlane v19, v9;
	(xrf0) =	vadd.scan.msk.s32 $0xffff, v19  }
0x12e: {  	v18 =	vadd.s32 v18, v20;
	v19 =	vld [tilespmem:s30+$0xFFFFF800];
	[tilespmem:s30+$0xFFFFF800] =	vst v2  }
0x12f: {  	v18 =	vadd.s32 v21, v18;
	v20 =	vld [tilespmem:s30+$0xFFFFFC00];
	[tilespmem:s30+$0xFFFFFC00] =	vst v2;
	(xrf0) =	vadd.scan.msk.s32 $0xffff, v25  }
0x130: {  	v18 =	vadd.s32 v22, v18;
	v21 =	vld [tilespmem:s30+$0x0];
	[tilespmem:s30+$0x0] =	vst v2  }
0x131: {  	v18 =	vadd.s32 v23, v18;
	v22 =	vld [tilespmem:s30+$0x400];
	[tilespmem:s30+$0x400] =	vst v2  }
0x132: {  	v18 =	vadd.s32 v24, v18;
	v23 =	vld [tilespmem:s30+$0x800];
	[tilespmem:s30+$0x800] =	vst v2  }
0x133: {  	v18 =	vadd.s32 v19, v18;
	v19 =	vld [tilespmem:s30+$0xC00];
	[tilespmem:s30+$0xC00] =	vst v2;
	v24, _, _ =	vpop (xrf0);
	s9 =	spop (v2sf)  }
0x134: {  	v18 =	vadd.s32 v20, v18;
	v26 =	vld [tilespmem:s30+$0x1000];
	[tilespmem:s30+$0x1000] =	vst v2;
	(v2sf) =	vpush v24, $0xF;
	s31 =	sadd.s32 s31, s9  }
0x135: {  	v18 =	vadd.s32 v21, v18;
	v24 =	vld [tilespmem:s30+$0x1400];
	[tilespmem:s30+$0x1400] =	vst v2;
	v20, _, _ =	vpop (xrf0)  }
0x136: {  	v18 =	vadd.s32 v22, v18;
	v27 =	vld [tilespmem:s30+$0x1800];
	[tilespmem:s30+$0x1800] =	vst v2;
	v20 =	vadd.s32 s31, v20  }
0x137: {  	v21 =	vadd.s32 v23, v18;
	v28 =	vld [tilespmem:s30+$0x1C00];
	[tilespmem:s30+$0x1C00] =	vst v2;
	s30 =	sadd.s32 $0xFFFFFFF0, s30;
	v22 =	vsub.s32 v20, v25;
	vm1 =	vgt.s32 v20, $0x3F  }
.Ltmp12:
0x138: {  	v18 =	vld [tilespmem:s30+$0xFFFFE000];
	[tilespmem:s30+$0xFFFFE000] =	vst v2;
	v19 =	vadd.s32 v19, v21;
	vm2 =	vlt.s32 v22, $0x40;
	(pc) =	sbr.rel @!p4 .LBB2_18-.Ltmp12, $4  }
0x139: {  	v22 =	vadd.s32 s29, v1;
	s29 =	smov.u32 s28;
	s28 =	smov.u32 s0;
	s0 =	smov.u32 s24;
	v20 =	vld [tilespmem:s30+$0xFFFFE400];
	[tilespmem:s30+$0xFFFFE400] =	vst v2;
	v19 =	vadd.s32 v26, v19;
	vm1 =	vmand vm1, vm2  }
0x13a: {  	s24 =	smov.u32 s3;
	v21 =	vld [tilespmem:s30+$0xFFFFE800];
	[tilespmem:s30+$0xFFFFE800] =	vst v2;
	v19 =	vadd.s32 v24, v19;
	v12 =	vsel vm1, v22, v12  }
0x13b: {  	v22 =	vld [tilespmem:s30+$0xFFFFEC00];
	[tilespmem:s30+$0xFFFFEC00] =	vst v2;
	v19 =	vadd.s32 v27, v19  }
0x13c: {  	s3 =	sadd.s32 $0xFFFFFFF0, s3;
	v23 =	vld [tilespmem:s30+$0xFFFFF000];
	[tilespmem:s30+$0xFFFFF000] =	vst v2;
	v19 =	vadd.s32 v28, v19  }
0x13d: {  	s3 =	smov.u32 s0;
	s0 =	smov.u32 s24  }
.LBB2_20:
0x13e: {  	v24 =	vld @p1 [tilespmem:s30+$0xFFFFF400]  }
0x13f: {  	v25 =	vld @p1 [tilespmem:s30+$0xFFFFF800]  }
0x140: {  	v26 =	vld @p1 [tilespmem:s30+$0xFFFFFC00]  }
0x141: {  	v27 =	vld @p1 [tilespmem:s30+$0x0]  }
0x142: {  	v28 =	vld @p1 [tilespmem:s30+$0x400]  }
0x143: {  	v29 =	vld @p1 [tilespmem:s30+$0x800]  }
0x144: {  	v30 =	vld @p1 [tilespmem:s30+$0xC00]  }
0x145: {  	v31 =	vld @p1 [tilespmem:s30+$0x1000]  }
0x146: {  	v32 =	vld @p1 [tilespmem:s30+$0x1400]  }
0x147: {  	v33 =	vld @p1 [tilespmem:s30+$0x1800];
	s9 =	sadd.s32 @p1 $0xFFFFFFF0, s30;
	s24 =	simm.s32 $0x1AAF0  }
0x148: {  	v34 =	vld @p1 [tilespmem:s30+$0x1C00];
	s24 =	smov.u32 @p1 s9  }
0x149: {  	v35 =	vld @p0 [tilespmem:s24+$0xFFFFE000]  }
0x14a: {  	v36 =	vld @p0 [tilespmem:s24+$0xFFFFE400]  }
0x14b: {  	[tilespmem:s30+$0xFFFFF400] =	vst @p1 v2;
	v37 =	vld @p0 [tilespmem:s24+$0xFFFFE800]  }
0x14c: {  	[tilespmem:s30+$0xFFFFF800] =	vst @p1 v2;
	v38 =	vld @p0 [tilespmem:s24+$0xFFFFEC00]  }
0x14d: {  	[tilespmem:s30+$0xFFFFFC00] =	vst @p1 v2;
	v39 =	vld @p0 [tilespmem:s24+$0xFFFFF000]  }
0x14e: {  	[tilespmem:s30+$0x0] =	vst @p1 v2;
	v40 =	vld @p0 [tilespmem:s24+$0xFFFFF400]  }
0x14f: {  	[tilespmem:s30+$0x400] =	vst @p1 v2;
	v41 =	vld @p0 [tilespmem:s24+$0xFFFFF800]  }
0x150: {  	[tilespmem:s30+$0x800] =	vst @p1 v2;
	v42 =	vld @p0 [tilespmem:s24+$0xFFFFFC00]  }
0x151: {  	[tilespmem:s30+$0xC00] =	vst @p1 v2;
	v43 =	vld @p0 [tilespmem:s24+$0x0]  }
0x152: {  	v18 =	vadd.s32 @p1 v18, v20;
	[tilespmem:s30+$0x1000] =	vst @p1 v2;
	v20 =	vld @p0 [tilespmem:s24+$0x400]  }
0x153: {  	[tilespmem:s30+$0x1400] =	vst @p1 v2;
	v18 =	vadd.s32 @p1 v21, v18;
	v21 =	vld @p0 [tilespmem:s24+$0x800]  }
0x154: {  	[tilespmem:s30+$0x1800] =	vst @p1 v2;
	v18 =	vadd.s32 @p1 v22, v18;
	v22 =	vld @p0 [tilespmem:s24+$0xC00];
	s9 =	sadd.s32 @p0 $0xFFFFFFF0, s24  }
0x155: {  	[tilespmem:s24+$0xFFFFE000] =	vst @p0 v2;
	v18 =	vadd.s32 @p1 v23, v18;
	v23 =	vld @p0 [tilespmem:s24+$0x1000];
	s23 =	smov.u32 @p0 s9  }
0x156: {  	[tilespmem:s24+$0xFFFFE400] =	vst @p0 v2;
	v44 =	vld [tilespmem:s23+$0xFFFFE000];
	v14 =	vpsel p0, v36, v14;
	v13 =	vpsel p0, v35, v13  }
0x157: {  	[tilespmem:s24+$0xFFFFE800] =	vst @p0 v2;
	v45 =	vld [tilespmem:s23+$0xFFFFE400];
	v15 =	vpsel p0, v37, v15;
	v13 =	vadd.s32 @p0 v13, v14  }
0x158: {  	[tilespmem:s24+$0xFFFFEC00] =	vst @p0 v2;
	v46 =	vld [tilespmem:s23+$0xFFFFE800];
	v18 =	vadd.s32 @p1 v24, v18;
	v16 =	vpsel p0, v38, v16;
	v13 =	vadd.s32 @p0 v15, v13  }
0x159: {  	[tilespmem:s24+$0xFFFFF000] =	vst @p0 v2;
	v47 =	vld [tilespmem:s23+$0xFFFFEC00];
	v18 =	vadd.s32 @p1 v25, v18;
	v17 =	vpsel p0, v39, v17;
	v13 =	vadd.s32 @p0 v16, v13  }
0x15a: {  	[tilespmem:s24+$0xFFFFF400] =	vst @p0 v2;
	v48 =	vld [tilespmem:s23+$0xFFFFF000];
	v18 =	vadd.s32 @p1 v26, v18;
	v13 =	vadd.s32 @p0 v17, v13  }
0x15b: {  	[tilespmem:s24+$0xFFFFF800] =	vst @p0 v2;
	v49 =	vld [tilespmem:s23+$0xFFFFF400];
	v18 =	vadd.s32 @p1 v27, v18;
	v13 =	vadd.s32 @p0 v40, v13  }
0x15c: {  	[tilespmem:s24+$0xFFFFFC00] =	vst @p0 v2;
	v50 =	vld [tilespmem:s23+$0xFFFFF800];
	v18 =	vadd.s32 @p1 v28, v18;
	v13 =	vadd.s32 @p0 v41, v13  }
0x15d: {  	[tilespmem:s30+$0x1C00] =	vst @p1 v2;
	v51 =	vld [tilespmem:s23+$0xFFFFFC00];
	v18 =	vadd.s32 @p1 v29, v18;
	v13 =	vadd.s32 @p0 v42, v13  }
0x15e: {  	(xrf0) =	vadd.scan.msk.s32 @p2 $0xffff, v19;
	v19 =	vperm.xlane @p2 v19, v9;
	v14 =	vld @p0 [tilespmem:s24+$0x1400];
	v18 =	vadd.s32 @p1 v30, v18;
	v13 =	vadd.s32 @p0 v43, v13  }
0x15f: {  	[tilespmem:s24+$0x0] =	vst @p0 v2;
	v15 =	vld @p0 [tilespmem:s24+$0x1800];
	v17 =	vadd.s32 v44, v45;
	v18 =	vadd.s32 @p1 v31, v18;
	v13 =	vadd.s32 @p0 v20, v13  }
0x160: {  	[tilespmem:s24+$0x400] =	vst @p0 v2;
	v16 =	vld @p0 [tilespmem:s24+$0x1C00];
	v17 =	vadd.s32 v46, v17;
	v18 =	vadd.s32 @p1 v32, v18;
	v13 =	vadd.s32 @p0 v21, v13  }
0x161: {  	(xrf0) =	vadd.scan.msk.s32 @p2 $0xffff, v19;
	v52 =	vld [tilespmem:s23+$0x0];
	v17 =	vadd.s32 v47, v17;
	v18 =	vadd.s32 @p1 v33, v18;
	v13 =	vadd.s32 @p0 v22, v13  }
0x162: {  	[tilespmem:s24+$0x800] =	vst @p0 v2;
	v53 =	vld [tilespmem:s23+$0x400];
	v17 =	vadd.s32 v48, v17;
	v18 =	vadd.s32 @p1 v34, v18;
	v13 =	vadd.s32 @p0 v23, v13  }
0x163: {  	[tilespmem:s24+$0xC00] =	vst @p0 v2;
	v55 =	vld [tilespmem:s23+$0x800];
	v54 =	vadd.s32 v49, v17;
	v11 =	vpsel p1, v18, v11;
	v13 =	vadd.s32 @p0 v14, v13  }
0x164: {  	[tilespmem:s24+$0x1000] =	vst @p0 v2;
	v56 =	vld [tilespmem:s23+$0xC00];
	v18 =	vperm.xlane @p1 v11, v9;
	v14 =	vadd.s32 v50, v54;
	v13 =	vadd.s32 @p0 v15, v13  }
0x165: {  	v58 =	vld [tilespmem:s23+$0x1000];
	[tilespmem:s24+$0x1400] =	vst @p0 v2;
	(xrf0) =	vadd.scan.msk.s32 @p1 $0xffff, v11;
	v57 =	vadd.s32 v51, v14;
	v11 =	vadd.s32 @p0 v16, v13  }
0x166: {  	[tilespmem:s24+$0x1800] =	vst @p0 v2;
	v59 =	vld [tilespmem:s23+$0x1400];
	(xrf0) =	vadd.scan.msk.s32 @p1 $0xffff, v18;
	v13 =	vadd.s32 v52, v57;
	v11 =	vpsel p0, v11, v0  }
0x167: {  	[tilespmem:s24+$0x1C00] =	vst @p0 v2;
	v60 =	vld [tilespmem:s23+$0x1800];
	v20, _, _ =	vpop @p2 (xrf0);
	v13 =	vadd.s32 v53, v13;
	(xrf0) =	vadd.scan.msk.s32 @p0 $0xffff, v11  }
0x168: {  	v61 =	vld [tilespmem:s23+$0x1C00];
	(v2sf) =	vpush @p2 v20, $0xF;
	v13 =	vadd.s32 v55, v13  }
0x169: {  	v13 =	vadd.s32 v56, v13  }
0x16a: {  	v15, _, _ =	vpop @p2 (xrf0);
	v13 =	vadd.s32 v58, v13  }
0x16b: {  	v14, _, _ =	vpop @p1 (xrf0);
	v11 =	vperm.xlane @p0 v11, v9;
	v13 =	vadd.s32 v59, v13  }
0x16c: {  	(v2sf) =	vpush @p1 v14, $0xF;
	v14, _, _ =	vpop @p1 (xrf0);
	v13 =	vadd.s32 v60, v13  }
0x16d: {  	(xrf0) =	vadd.scan.msk.s32 @p0 $0xffff, v11;
	v13 =	vadd.s32 v61, v13;
	v16, _, _ =	vpop @p0 (xrf0)  }
0x16e: {  	(xrf0) =	vadd.scan.msk.s32 $0xffff, v13;
	(v2sf) =	vpush @p0 v16, $0xF;
	_ =	sdelay $0x4  }
0x16f: {  	v16, _, _ =	vpop @p0 (xrf0)  }
0x170: {  	v62, _, _ =	vpop (xrf0)  }
0x171: {  	[tilespmem:s23+$0xFFFFE000] =	vst v2;
	s9 =	spop @p3 (v2sf);
	(v2sf) =	vpush v62, $0xF  }
0x172: {  	s10 =	simm.s32 $0x0;
	[tilespmem:s23+$0xFFFFE400] =	vst v2;
	s9 =	sadd.s32 @p3 s31, s9  }
0x173: {  	[tilespmem:s23+$0xFFFFE800] =	vst v2;
	s10 =	smov.u32 @p3 s9;
	v13 =	vperm.xlane v13, v9;
	s18 =	spop @p2 (v2sf)  }
0x174: {  	[tilespmem:s23+$0xFFFFEC00] =	vst v2;
	v15 =	vadd.s32 @p2 s10, v15;
	s9 =	sadd.s32 @p2 s10, s18;
	s10 =	simm.s32 $0x0  }
0x175: {  	[tilespmem:s23+$0xFFFFF000] =	vst v2;
	v17 =	vsub.s32 @p2 v15, v19;
	s10 =	smov.u32 @p2 s9;
	(xrf0) =	vadd.scan.msk.s32 $0xffff, v13  }
0x176: {  	[tilespmem:s23+$0xFFFFF400] =	vst v2;
	vm1 =	vgt.s32 @p2 v15, $0x3F;
	vm2 =	vlt.s32 @p2 v17, $0x40;
	v14 =	vadd.s32 @p1 s10, v14  }
0x177: {  	[tilespmem:s23+$0xFFFFF800] =	vst v2;
	v15 =	vadd.s32 @p2 s29, v1;
	vm1 =	vmand @p2 vm1, vm2;
	s18 =	smov.u32 @p1 s28;
	v17 =	vsub.s32 @p1 v14, v18;
	s9 =	spop @p1 (v2sf)  }
0x178: {  	[tilespmem:s23+$0xFFFFFC00] =	vst v2;
	v12 =	vsel @p2 vm1, v15, v12;
	s26 =	smov.u32 @p1 s18;
	vm1 =	vgt.s32 @p1 v14, $0x3F;
	vm2 =	vlt.s32 @p1 v17, $0x40;
	s9 =	sadd.s32 @p1 s10, s9;
	s10 =	simm.s32 $0x0  }
0x179: {  	[tilespmem:s23+$0x0] =	vst v2;
	v12 =	vpsel p2, v12, v10;
	v14 =	vadd.s32 @p1 s26, v1;
	vm1 =	vmand @p1 vm1, vm2;
	s10 =	smov.u32 @p1 s9;
	s18 =	spop @p0 (v2sf)  }
0x17a: {  	s25 =	smov.u32 @p0 s3;
	[tilespmem:s23+$0x400] =	vst v2;
	v12 =	vsel @p1 vm1, v14, v12;
	v14 =	vadd.s32 @p0 s10, v16;
	s3 =	sadd.s32 @p0 s10, s18  }
0x17b: {  	[tilespmem:s23+$0x800] =	vst v2;
	v12 =	vpsel p1, v12, v10;
	s9 =	smov.u32 @p0 s25;
	v63, _, _ =	vpop (xrf0);
	v11 =	vsub.s32 @p0 v14, v11;
	s22 =	smov.u32 @p0 s3  }
0x17c: {  	[tilespmem:s23+$0xC00] =	vst v2;
	vm1 =	vgt.s32 @p0 v14, $0x3F;
	vm2 =	vlt.s32 @p0 v11, $0x40;
	s3 =	smov.u32 @p0 s9;
	v11 =	vadd.s32 s22, v63  }
0x17d: {  	[tilespmem:s23+$0x1000] =	vst v2;
	vm1 =	vmand @p0 vm1, vm2;
	v14 =	vadd.s32 @p0 s3, v1;
	v13 =	vsub.s32 v11, v13  }
0x17e: {  	[tilespmem:s23+$0x1400] =	vst v2;
	v12 =	vsel @p0 vm1, v14, v12;
	vm1 =	vgt.s32 v11, $0x3F;
	vm2 =	vlt.s32 v13, $0x40  }
0x17f: {  	[tilespmem:s23+$0x1800] =	vst v2;
	v11 =	vadd.s32 s0, v1;
	v10 =	vpsel p0, v12, v10;
	vm1 =	vmand vm1, vm2  }
0x180: {  	[tilespmem:s23+$0x1C00] =	vst v2;
	s3 =	simm.s32 $0x0;
	s0 =	simm.s32 $0x40;
	s31 =	spop (v2sf);
	v10 =	vsel vm1, v11, v10  }
.LBB2_21:
0x181: {  	p0 =	seq.s32 s0, $0x1000;
	[tilespmem:s3+$0x1C700] =	vst v3;
	s3 =	smov.u32 s0;
	s0 =	sadd.s32 $0x40, s0  }
.Ltmp13:
0x182: {  	(pc) =	sbr.rel @!p0 .LBB2_21-.Ltmp13, $2  }
0x183: {  	_ =	sdelay $0x2  }
0x184: {  	s3 =	sshra.s32 s3, $0x2  }
0x185: {  	v10 =	vxor.u32 $0x80000000, v10  }
0x186: {  	(xrf0) =	vmax.scan.msk.u32 $0xffff, v10;
	_ =	sdelay $0x5  }
0x187: {  	v10, _, _ =	vpop (xrf0)  }
0x188: {  	(v2sf) =	vpush v10, $0xF;
	_ =	sdelay $0xe  }
0x189: {  	s0 =	spop (v2sf)  }
0x18a: {  	s0 =	sshll.u32 s0, $0x16  }
0x18b: {  	[tilespmem:s3+$0x1C700] =	vst v3;
	s3 =	simm.s32 $0xFFFFFFFF;
	p0 =	sgt.s32 s0, $0xFFFFFFFF  }
0x18c: {  	s3 =	simm.s32 @!p0 $0x80000000  }
0x18d: {  	s0 =	sxor.u32 s0, s3  }
0x18e: {  	v10 =	vmov s0  }
0x18f: {  	v10 =	vbroadcast v10, $0x0;
	_ =	sdelay $0x1  }
0x190: {  	(xrf0) =	vmax.scan.msk.f32 $0xffff, v10;
	_ =	sdelay $0x2  }
0x191: {  	s31 =	simm.s32 $0x1D100  }
0x192: {  	v11 =	vld [tilespmem:s31+$0x0];
	_ =	sdelay $0x1  }
0x193: {  	v10, _, _ =	vpop (xrf0)  }
0x194: {  	v10 =	vbroadcast v10, $0xF;
	_ =	sdelay $0x1  }
0x195: {  	vm1 =	vge.f32 v11, v10  }
0x196: {  	v11 =	vmpcnt.ones.xlane vm1;
	_ =	sdelay $0x1  }
0x197: {  	v11 =	vxor.u32 $0x80000000, v11  }
0x198: {  	(xrf0) =	vmax.scan.msk.u32 $0xffff, v11;
	_ =	sdelay $0x5  }
0x199: {  	s0 =	simm.s32 $0x0;
	v12, _, _ =	vpop (xrf0)  }
0x19a: {  	v11 =	vor.u32 s0, v0;
	(v2sf) =	vpush v12, $0xF  }
0x19b: {  	s22 =	simm.s32 $0x1D110;
	[tilespmem:s0+$0x1D400] =	vst.msk vm1, v11  }
0x19c: {  	s23 =	simm.s32 $0x20;
	s3 =	simm.s32 $0x10;
	v11 =	vld [tilespmem:s22+$0x0]  }
.LBB2_23:
0x19d: {  	p0 =	seq.s32 s23, $0x280;
	_ =	sdelay $0x3  }
0x19e: {  	vm1 =	vge.f32 v11, v10  }
0x19f: {  	v11 =	vmpcnt.ones.xlane vm1;
	_ =	sdelay $0x1  }
0x1a0: {  	v11 =	vxor.u32 $0x80000000, v11  }
0x1a1: {  	(xrf0) =	vmax.scan.msk.u32 $0xffff, v11;
	_ =	sdelay $0x3  }
0x1a2: {  	s9 =	spop (v2sf)  }
.Ltmp14:
0x1a3: {  	s0 =	sadd.s32 s9, s0;
	(pc) =	sbr.rel @!p0 .LBB2_23-.Ltmp14, $4  }
0x1a4: {  	v11 =	vor.u32 s3, v0;
	s3 =	smov.u32 s23;
	v12, _, _ =	vpop (xrf0);
	s0 =	sadd.s32 $0x80000000, s0  }
0x1a5: {  	[tilespmem:s0+$0x1D400] =	vst.msk vm1, v11;
	(v2sf) =	vpush v12, $0xF  }
0x1a6: {  	s22 =	sadd.s32 $0x10, s22  }
0x1a7: {  	s23 =	sadd.s32 $0x10, s23;
	v11 =	vld [tilespmem:s22+$0x0]  }
0x1a8: {  	_ =	sdelay $0x3  }
0x1a9: {  	vm1 =	vge.f32 v11, v10  }
0x1aa: {  	v11 =	vmpcnt.ones.xlane vm1;
	_ =	sdelay $0x1  }
0x1ab: {  	v11 =	vxor.u32 $0x80000000, v11  }
0x1ac: {  	(xrf0) =	vmax.scan.msk.u32 $0xffff, v11;
	_ =	sdelay $0x5  }
0x1ad: {  	v11, _, _ =	vpop (xrf0)  }
0x1ae: {  	(v2sf) =	vpush v11, $0xF;
	_ =	sdelay $0xc  }
0x1af: {  	s9 =	spop (v2sf)  }
0x1b0: {  	s0 =	sadd.s32 s9, s0  }
0x1b1: {  	s0 =	sadd.s32 $0x80000000, s0;
	s30 =	spop (v2sf)  }
0x1b2: {  	v11 =	vor.u32 s3, v0;
	s31 =	sadd.s32 s30, s0  }
0x1b3: {  	[tilespmem:s0+$0x1D400] =	vst.msk vm1, v11;
	s0 =	sadd.s32 $0x80000000, s31  }
0x1b4: {  	p0 =	sgt.s32 s0, $0x0  }
.Ltmp15:
0x1b5: {  	_ = 	snop;
	(pc) =	sbr.rel @!p0 .LBB2_25-.Ltmp15, $2  }
0x1b6: {  	_ =	sdelay $0x2  }
0x1b7: {  	s23 =	simm.s32 $0x0;
	s3 =	simm.s32 $0x0  }
.LBB2_26:
0x1b8: {  	v11 =	vmov s3;
	_ =	sdelay $0x4  }
0x1b9: {  	v11 =	vld.idx.msk [tilespmem:v11+s15+$0x0], $0xffff;
	_ =	sdelay $0x4  }
0x1ba: {  	v11 =	vxor.u32 $0x80000000, v11  }
0x1bb: {  	(xrf0) =	vmax.scan.msk.u32 $0xffff, v11;
	_ =	sdelay $0x5  }
0x1bc: {  	v11, _, _ =	vpop (xrf0)  }
0x1bd: {  	(v2sf) =	vpush v11, $0xF;
	_ =	sdelay $0xe  }
0x1be: {  	s9 =	spop (v2sf)  }
0x1bf: {  	s10 =	smul.u32 $0x280, s9;
	_ =	sdelay $0x1  }
0x1c0: {  	s10 =	sshra.s32 s10, $0x2  }
0x1c1: {  	v11 =	vmov s10;
	_ =	sdelay $0x3  }
0x1c2: {  	s29 =	simm.s32 $0x0  }
0x1c3: {  	v12 =	vld.idx.msk [tilespmem:v11+s29+$0x0 ss:$0x1], $0xffff;
	_ =	sdelay $0x3  }
0x1c4: {  	p0 =	slt.s32 s23, $0x3F1;
	vm1 =	vmmov vm0  }
0x1c5: {  	vm1 =	vmneg @p0 vm1;
	vm2 =	vge.f32 v12, v10  }
0x1c6: {  	vm1 =	vmand vm1, vm2  }
0x1c7: {  	v13 =	vmpcnt.ones.xlane vm1;
	_ =	sdelay $0x1  }
0x1c8: {  	v13 =	vxor.u32 $0x80000000, v13  }
0x1c9: {  	(xrf0) =	vmax.scan.msk.u32 $0xffff, v13;
	_ =	sdelay $0x5  }
0x1ca: {  	v13, _, _ =	vpop (xrf0)  }
0x1cb: {  	(v2sf) =	vpush v13, $0xF;
	_ =	sdelay $0xa  }
0x1cc: {  	s22 =	smul.u32 $0xA0, s9;
	_ =	sdelay $0x1  }
0x1cd: {  	[tilespmem:s23+$0x1C700] =	vst.msk vm1, v12;
	v12 =	vor.u32 s22, v0  }
0x1ce: {  	s30 =	simm.s32 $0x10;
	[tilespmem:s23+$0x1CB80] =	vst.msk vm1, v12  }
0x1cf: {  	v12 =	vld.idx.msk [tilespmem:v11+s30+$0x0 ss:$0x1], $0xffff;
	s31 =	spop (v2sf)  }
0x1d0: {  	s24 =	simm.s32 $0x80;
	s23 =	sadd.s32 s31, s23  }
.LBB2_27:
0x1d1: {  	s9 =	sadd.s32 $0x80000000, s23  }
0x1d2: {  	s22 =	sadd.s32 $0x10, s22;
	s10 =	smov.u32 s24;
	s18 =	sadd.s32 $0x40, s24  }
0x1d3: {  	p0 =	sne.s32 s24, $0x240;
	vm2 =	vmmov vm0;
	p1 =	slt.s32 s9, $0x3F1  }
0x1d4: {  	vm1 =	vge.f32 v12, v10;
	vm2 =	vmneg @p1 vm2  }
0x1d5: {  	vm1 =	vmand vm2, vm1  }
0x1d6: {  	[tilespmem:s9+$0x1C700] =	vst.msk vm1, v12;
	v12 =	vor.u32 s22, v0;
	v13 =	vmpcnt.ones.xlane vm1  }
0x1d7: {  	[tilespmem:s9+$0x1CB80] =	vst.msk vm1, v12  }
0x1d8: {  	v12 =	vxor.u32 $0x80000000, v13  }
0x1d9: {  	(xrf0) =	vmax.scan.msk.u32 $0xffff, v12;
	_ =	sdelay $0x5  }
0x1da: {  	v12, _, _ =	vpop (xrf0)  }
0x1db: {  	(v2sf) =	vpush v12, $0xF;
	_ =	sdelay $0xb  }
.Ltmp16:
0x1dc: {  	s10 =	sshra.s32 s10, $0x2;
	(pc) =	sbr.rel @p0 .LBB2_27-.Ltmp16, $3  }
0x1dd: {  	v12 =	vld.idx.msk [tilespmem:v11+s10+$0x0 ss:$0x1], $0xffff;
	_ =	sdelay $0x1  }
0x1de: {  	s10 =	spop (v2sf)  }
0x1df: {  	s24 =	smov.u32 s18;
	s23 =	sadd.s32 s10, s9  }
0x1e0: {  	s9 =	sadd.s32 $0x80000000, s23  }
0x1e1: {  	vm1 =	vmmov vm0;
	p0 =	slt.s32 s9, $0x3F1  }
0x1e2: {  	vm2 =	vge.f32 v12, v10;
	vm1 =	vmneg @p0 vm1  }
0x1e3: {  	vm1 =	vmand vm1, vm2  }
0x1e4: {  	v11 =	vmpcnt.ones.xlane vm1;
	_ =	sdelay $0x1  }
0x1e5: {  	v11 =	vxor.u32 $0x80000000, v11  }
0x1e6: {  	(xrf0) =	vmax.scan.msk.u32 $0xffff, v11;
	_ =	sdelay $0x5  }
0x1e7: {  	v11, _, _ =	vpop (xrf0)  }
0x1e8: {  	(v2sf) =	vpush v11, $0xF;
	_ =	sdelay $0xa  }
0x1e9: {  	s3 =	sadd.s32 $0x1, s3  }
0x1ea: {  	p0 =	sne.s32 s3, s0  }
.Ltmp17:
0x1eb: {  	_ = 	snop;
	(pc) =	sbr.rel @p0 .LBB2_26-.Ltmp17, $4  }
0x1ec: {  	_ = 	snop  }
0x1ed: {  	s10 =	sadd.s32 $0x10, s22;
	s18 =	spop (v2sf)  }
0x1ee: {  	[tilespmem:s9+$0x1C700] =	vst.msk vm1, v12;
	v11 =	vor.u32 s10, v0;
	s31 =	sadd.s32 s18, s9  }
0x1ef: {  	[tilespmem:s9+$0x1CB80] =	vst.msk vm1, v11;
	s23 =	sadd.s32 $0x80000000, s31  }
.Ltmp18:
0x1f0: {  	(pc) =	sbr.rel .LBB2_30-.Ltmp18, $2  }
0x1f1: {  	_ =	sdelay $0x2  }
0x1f2: {  	s0 =	sadd.s32 $0xF, s23  }
.LBB2_25:
0x1f3: {  	s0 =	simm.s32 $0xF  }
.LBB2_30:
0x1f4: {  	s3 =	sand.u32 $0xF, s0  }
0x1f5: {  	s9 =	sshra.s32 s0, $0x1F;
	p0 =	slt.s32 s0, $0x1;
	p1 =	sne.s32 s3, $0x0  }
.Ltmp19:
0x1f6: {  	s30 =	sshrl.u32 s9, $0x1C;
	p0 =	por !p0, !p1;
	(pc) =	sbr.rel .LBB2_31-.Ltmp19, $4  }
0x1f7: {  	s3 =	simm.s32 $0x1;
	s31 =	sadd.s32 s30, s0;
	p0 =	por !p0, !p0  }
0x1f8: {  	s0 =	sshra.s32 s31, $0x4;
	s3 =	simm.s32 @!p0 $0x0  }
0x1f9: {  	s22 =	simm.f32 $+Inf;
	s0 =	ssub.s32 s0, s3  }
0x1fa: {  	s23 =	simm.s32 $0xFFFFFFFF;
	s3 =	simm.s32 $0x0;
	p0 =	slt.s32 s0, $0x1  }
.LBB2_32:
0x1fb: {  	v10 =	vimm.s32 $0xFFFFFFFF;
	v11 =	vimm.f32 $-Inf  }
.LBB2_40:
0x1fc: {  	(xrf0) =	vmax.scan.msk.f32 $0xffff, v11;
	_ =	sdelay $0x5  }
0x1fd: {  	v12, _, _ =	vpop (xrf0)  }
0x1fe: {  	v13 =	vbroadcast v12, $0xF;
	_ =	sdelay $0x1  }
0x1ff: {  	vm1 =	veq.f32 v11, v13  }
0x200: {  	v10 =	vnsel vm1, $0xFFFFFFFF, v10  }
0x201: {  	(xrf0) =	vmin.scan.msk.u32 $0xffff, v10;
	_ =	sdelay $0x5  }
0x202: {  	(v2sf) =	vpush v12, $0xF;
	v10, _, _ =	vpop (xrf0)  }
0x203: {  	(v2sf) =	vpush v10, $0xF;
	_ =	sdelay $0xb  }
0x204: {  	v10 =	vmov s3;
	s3 =	sadd.s32 $0x1, s3  }
0x205: {  	p1 =	sne.s32 s3, $0x40  }
.Ltmp20:
0x206: {  	s22 =	spop (v2sf);
	(pc) =	sbr.rel @!p1 .LBB2_41-.Ltmp20, $4  }
0x207: {  	s9 =	spop (v2sf)  }
0x208: {  	s23 =	sxor.u32 $0x80000000, s9  }
0x209: {  	[tilespmem:v10+s16+$0x0] =	vst.idx.msk $0x1, v13;
	v11 =	vmov s23  }
0x20a: {  	[tilespmem:v10+s17+$0x0] =	vst.idx.msk $0x1, v11  }
.LBB2_31:
.Ltmp21:
0x20b: {  	(pc) =	sbr.rel @p0 .LBB2_32-.Ltmp21, $1  }
0x20c: {  	_ =	sdelay $0x3  }
0x20d: {  	s9 =	simm.s32 $0x1C700  }
0x20e: {  	p2 =	sne.s32 s0, $0x1;
	v19 =	vld [tilespmem:s9+$0x0]  }
.Ltmp22:
0x20f: {  	_ = 	snop;
	(pc) =	sbr.rel @!p2 .LBB2_34-.Ltmp22, $3  }
0x210: {  	_ =	sdelay $0x1  }
0x211: {  	v12 =	vmov s22;
	v13 =	vmov s23;
	s31 =	simm.s32 $0x1CB80  }
0x212: {  	v11 =	vimm.f32 $-Inf;
	v10 =	vimm.s32 $0x7FFFFFFF;
	s23 =	sadd.s32 $0xFFFFFFFF, s0;
	s22 =	simm.s32 $0x1C710;
	p1 =	por $0x0, $0x0;
	v20 =	vld [tilespmem:s31+$0x0];
	vm1 =	vlt.f32 v19, v12  }
0x213: {  	_ =	sdelay $0x3  }
0x214: {  	vm2 =	veq.f32 v19, v12;
	vm3 =	vgt.s32 v20, v13  }
0x215: {  	vm2 =	vmand vm2, vm3  }
0x216: {  	v18 =	vld [tilespmem:s22+$0x0];
	s22 =	simm.s32 $0x1CB90;
	p2 =	sne.s32 s23, $0x1;
	vm1 =	vmor vm1, vm2  }
.Ltmp23:
0x217: {  	v15 =	vnsel vm1, $0x7FFFFFFF, v20;
	v20 =	vld [tilespmem:s22+$0x0];
	(pc) =	sbr.rel @!p2 .LBB2_36-.Ltmp23, $4  }
0x218: {  	_ = 	snop  }
0x219: {  	v16 =	vimm.f32 $-Inf;
	v14 =	vnsel vm1, $0xFF800000, v19  }
0x21a: {  	v17 =	vimm.s32 $0x7FFFFFFF;
	vm3 =	veq.f32 v14, v11;
	vm4 =	vlt.s32 v15, v10  }
0x21b: {  	s23 =	sadd.s32 $0xFFFFFFFF, s23;
	s24 =	simm.s32 $0x1C720;
	p1 =	por $0x1, $0x1;
	vm1 =	vlt.f32 v18, v12;
	vm2 =	vgt.f32 v14, v11;
	vm3 =	vmand vm3, vm4  }
.LBB2_37:
0x21c: {  	v19 =	vld [tilespmem:s24+$0x0];
	vm4 =	veq.f32 v18, v12;
	vm5 =	vgt.s32 v20, v13;
	s22 =	sadd.s32 $0x10, s22;
	vm2 =	vmor vm2, vm3;
	v21 =	vmovc v20;
	p2 =	sne.s32 s23, $0x1  }
.Ltmp24:
0x21d: {  	s23 =	sadd.s32 $0xFFFFFFFF, s23;
	v20 =	vld [tilespmem:s22+$0x0];
	vm3 =	vmand vm4, vm5;
	v16 =	vsel vm2, v14, v16;
	v17 =	vsel vm2, v15, v17;
	(pc) =	sbr.rel @p2 .LBB2_37-.Ltmp24, $4  }
0x21e: {  	vm1 =	vmor vm1, vm3  }
0x21f: {  	v14 =	vnsel vm1, $0xFF800000, v18;
	v15 =	vnsel vm1, $0x7FFFFFFF, v21  }
0x220: {  	vm3 =	veq.f32 v14, v16;
	vm4 =	vlt.s32 v15, v17  }
0x221: {  	s24 =	sadd.s32 $0x10, s24;
	vm2 =	vgt.f32 v14, v16;
	vm1 =	vlt.f32 v19, v12;
	vm3 =	vmand vm3, vm4;
	v18 =	vmovc v19  }
0x222: {  	v19 =	vmov v18  }
.LBB2_39:
0x223: {  	vm4 =	veq.f32 v19, v12;
	vm5 =	vgt.s32 v20, v13;
	vm2 =	vmor @p1 vm2, vm3  }
0x224: {  	vm4 =	vmand vm4, vm5;
	v12 =	vsel @p1 vm2, v14, v16  }
0x225: {  	v13 =	vsel @p1 vm2, v15, v17;
	vm1 =	vmor vm1, vm4;
	v11 =	vpsel p1, v12, v11  }
0x226: {  	v10 =	vpsel p1, v13, v10;
	v62 =	vnsel vm1, $0xFF800000, v19;
	v63 =	vnsel vm1, $0x7FFFFFFF, v20  }
.Ltmp25:
0x227: {  	vm1 =	veq.f32 v62, v11;
	vm2 =	vlt.s32 v63, v10;
	(pc) =	sbr.rel .LBB2_40-.Ltmp25, $4  }
0x228: {  	vm3 =	vgt.f32 v62, v11;
	vm1 =	vmand vm1, vm2  }
0x229: {  	vm1 =	vmor vm3, vm1  }
0x22a: {  	v10 =	vsel vm1, v63, v10  }
0x22b: {  	v11 =	vsel vm1, v62, v11;
	v10 =	vxor.u32 $0x80000000, v10  }
.LBB2_34:
.Ltmp26:
0x22c: {  	(pc) =	sbr.rel .LBB2_39-.Ltmp26, $2  }
0x22d: {  	_ =	sdelay $0x2  }
0x22e: {  	v16 =	vimm.f32 $-Inf;
	v17 =	vimm.s32 $0x7FFFFFFF  }
.LBB2_36:
.Ltmp27:
0x22f: {  	(pc) =	sbr.rel .LBB2_39-.Ltmp27, $2  }
0x230: {  	_ =	sdelay $0x2  }
0x231: {  	v19 =	vmov v18;
	v16 =	vimm.f32 $-Inf;
	v17 =	vimm.s32 $0x7FFFFFFF  }
.LBB2_9:
.Ltmp28:
0x232: {  	(pc) =	sbr.rel .LBB2_20-.Ltmp28, $2  }
0x233: {  	_ =	sdelay $0x2  }
0x234: {  	s30 =	simm.s32 $0x1AAF0;
	s31 =	simm.s32 $0x0;
	s0 =	simm.s32 $0x3FF;
	v12 =	vimm.s32 $0x0  }
.LBB2_11:
.Ltmp29:
0x235: {  	(pc) =	sbr.rel .LBB2_20-.Ltmp29, $3  }
0x236: {  	_ =	sdelay $0x1  }
0x237: {  	s30 =	simm.s32 $0x1AAF0  }
0x238: {  	s31 =	simm.s32 $0x0;
	s3 =	simm.s32 $0x3FF;
	s0 =	simm.s32 $0x3EF;
	v12 =	vimm.s32 $0x0  }
.LBB2_13:
.Ltmp30:
0x239: {  	(pc) =	sbr.rel .LBB2_20-.Ltmp30, $3  }
0x23a: {  	_ =	sdelay $0x1  }
0x23b: {  	s30 =	simm.s32 $0x1AAF0;
	s31 =	simm.s32 $0x0  }
0x23c: {  	s28 =	simm.s32 $0x3FF;
	s3 =	simm.s32 $0x3EF;
	s0 =	simm.s32 $0x3DF;
	v12 =	vimm.s32 $0x0  }
.LBB2_15:
.Ltmp31:
0x23d: {  	_ = 	snop;
	(pc) =	sbr.rel .LBB2_20-.Ltmp31, $3  }
0x23e: {  	_ =	sdelay $0x1  }
0x23f: {  	s31 =	simm.s32 $0x0;
	v19 =	vmov v11;
	v18 =	vmov v13  }
0x240: {  	s29 =	simm.s32 $0x3FF;
	s28 =	simm.s32 $0x3EF;
	s3 =	simm.s32 $0x3DF;
	v12 =	vimm.s32 $0x0;
	v20 =	vmovc v14;
	v21 =	vmovc v15;
	v22 =	vmov v16;
	v23 =	vmov v17  }
.LBB2_17:
.Ltmp32:
0x241: {  	(pc) =	sbr.rel .LBB2_20-.Ltmp32, $3  }
0x242: {  	_ =	sdelay $0x1  }
0x243: {  	s31 =	simm.s32 $0x0  }
0x244: {  	s29 =	simm.s32 $0x3EF;
	s3 =	simm.s32 $0x3CF;
	s0 =	simm.s32 $0x3BF  }
.LBB2_43:
0x245: {  	_ =	sfence.sel $0x180000  }
0x246: {  	[bflag:$0x0] =	sbarrier.arrive $0xFFFF  }
0x247: {  	_ =	strace $0x90000047  }
0x248: {  	s0 =	stileid.u32;
	[bflag:$0x2] =	sbarrier.arrive $0xFFFF  }
0x249: {  	p0 =	sne.s32 s0, $0x0;
	s0 =	rddreg [dreg:$0x1]  }
0x24a: {  	s0 =	sadd.s32 @!p0 $0x100000, s0  }
0x24b: {  	[sflag:s0] =	ssyncadd.tile.s32 @!p0 $0x1;
	_ =	shalt  }
.Lfunc_end2:
_tile_overlayer_lowered:
.L_overlay_start_2:
0x24c: {  	(tag) =	ssettag $0x2  }
0x24d: {  	s0 =	rddreg [dreg:$0x0];
	s2 =	stileid.u32  }
0x24e: {  	s1 =	rddreg [dreg:$0x1];
	p0 =	sne.s32 s2, $0x0  }
0x24f: {  	s3 =	rddreg [dreg:$0x2];
	[bflag:$0x3] =	sbarrier.arrive $0xFFFF;
	s2 =	simm.s32 @!p0 $0x1C01  }
0x250: {  	[timem:s3], [sflag:s2] =	dma.local @!p0 [hbm:s0], s1  }
0x251: {  	s0 =	simm.s32 @!p0 $0x1  }
0x252: {  	_ =	swait.ge @!p0 [sflag:s0], s1  }
0x253: {  	s1 =	ssub.s32 @!p0 $0x0, s1;
	[sflag:s0] =	ssyncset.done @!p0 $0x0  }
0x254: {  	[sflag:s0] =	ssyncadd.s32 @!p0 s1  }
0x255: {  	[bflag:$0x3] =	sbarrier.arrive $0xFFFF  }
0x256: {  	_ =	shalt  }

</sc_bundles>
